<compile_context>
chip_gen: v7x
topology: tpu7x:2x2x1
jax: 0.10.2.dev20260603
libtpu: 0.0.44.dev20260713+nightly
codegen_flags: <defaults>
</compile_context>

<pallas_src>
import functools

import jax
import jax.numpy as jnp
from jax import lax
from jax.experimental import pallas as pl
from jax.experimental.pallas import tpu as pltpu
from jax.experimental.pallas import tpu_sc as plsc

N = 10000
D = 128
H = 32
E = 320000

NC, NS, L = 2, 16, 16
NW = NC * NS
CHUNK = 128
EPT = E // NW
NCHUNK = 80
EPT_PAD = NCHUNK * CHUNK
E_PAD = NW * EPT_PAD
N_PAD = 10240
ROWS_PT = N_PAD // NS


def _deg_body(dst_hbm, deg_out, dst_v, deg_v):
    cid = lax.axis_index("c")
    sid = lax.axis_index("s")
    wid = sid * NC + cid
    pltpu.sync_copy(dst_hbm.at[pl.ds(wid * EPT, EPT)], dst_v)

    zeros = jnp.zeros((L,), jnp.float32)

    @pl.loop(0, N_PAD // L)
    def _(i):
        deg_v[pl.ds(i * L, L)] = zeros

    ones = jnp.ones((L,), jnp.float32)

    @pl.loop(0, EPT // L)
    def _(i):
        idx = dst_v[pl.ds(i * L, L)]
        plsc.addupdate_scatter(deg_v, [idx], ones)

    pltpu.sync_copy(deg_v, deg_out.at[wid])


def _degree_partials(dst):
    mesh = plsc.VectorSubcoreMesh(
        core_axis_name="c", subcore_axis_name="s", num_cores=NC, num_subcores=NS
    )
    return pl.kernel(
        _deg_body,
        out_type=jax.ShapeDtypeStruct((NW, N_PAD), jnp.float32),
        mesh=mesh,
        scratch_types=[
            pltpu.VMEM((EPT,), jnp.int32),
            pltpu.VMEM((N_PAD,), jnp.float32),
        ],
        compiler_params=pltpu.CompilerParams(needs_layout_passes=False),
    )(dst)


_BN = 1024


def _rsqrt_refined(d):
    y = lax.rsqrt(d)
    return y * (1.5 - 0.5 * d * y * y)


def _scale_body(x_ref, w_ref, deg_ref, g_ref):
    h = jnp.dot(x_ref[...], w_ref[...], preferred_element_type=jnp.float32)
    d = jnp.sum(deg_ref[...], axis=0) + 1.0
    dinv = _rsqrt_refined(d)
    g_ref[...] = h * dinv[:, None]


def _scaled_features(x_pad, W_gcn, deg_parts):
    return pl.pallas_call(
        _scale_body,
        grid=(N_PAD // _BN,),
        in_specs=[
            pl.BlockSpec((_BN, D), lambda i: (i, 0)),
            pl.BlockSpec((D, H), lambda i: (0, 0)),
            pl.BlockSpec((NW, _BN), lambda i: (0, i)),
        ],
        out_specs=pl.BlockSpec((_BN, H), lambda i: (i, 0)),
        out_shape=jax.ShapeDtypeStruct((N_PAD, H), jnp.float32),
    )(x_pad, W_gcn, deg_parts)


NBUF = 4


def _edge_body(g_hbm, src_hbm, dst_hbm, acc_out, src_v, dst_v,
               rows0, rows1, rows2, rows3, zero_v, acc_sh, g_sh,
               sg0, sg1, sg2, sg3, ss0, ss1, ss2, ss3):
    cid = lax.axis_index("c")
    sid = lax.axis_index("s")
    wid = sid * NC + cid
    bufs = (rows0, rows1, rows2, rows3)
    sgs = (sg0, sg1, sg2, sg3)
    sss = (ss0, ss1, ss2, ss3)

    pltpu.sync_copy(src_hbm.at[wid], src_v)
    pltpu.sync_copy(dst_hbm.at[wid], dst_v)

    pltpu.sync_copy(
        g_hbm.at[pl.ds(sid * ROWS_PT, ROWS_PT)],
        g_sh.at[pl.ds(sid * ROWS_PT, ROWS_PT)],
    )

    zeros = jnp.zeros((L,), jnp.float32)

    @pl.loop(0, ROWS_PT)
    def _(i):
        zero_v[i, pl.ds(0, L)] = zeros
        zero_v[i, pl.ds(L, L)] = zeros

    pltpu.sync_copy(zero_v, acc_sh.at[pl.ds(sid * ROWS_PT, ROWS_PT)])
    plsc.subcore_barrier()

    for b in range(NBUF):
        pltpu.async_copy(g_sh.at[src_v.at[b]], bufs[b], sgs[b])

    @pl.loop(0, NCHUNK - NBUF, step=NBUF)
    def _(j):
        for b in range(NBUF):
            pltpu.make_async_copy(g_sh.at[src_v.at[j + b]], bufs[b], sgs[b]).wait()
            pltpu.sync_copy(bufs[b], acc_sh.at[dst_v.at[j + b]], add=True)
            pltpu.async_copy(g_sh.at[src_v.at[j + NBUF + b]], bufs[b], sgs[b])

    for b in range(NBUF):
        jj = NCHUNK - NBUF + b
        pltpu.make_async_copy(g_sh.at[src_v.at[jj]], bufs[b], sgs[b]).wait()
        pltpu.sync_copy(bufs[b], acc_sh.at[dst_v.at[jj]], add=True)

    plsc.subcore_barrier()
    pltpu.sync_copy(
        acc_sh.at[pl.ds(sid * ROWS_PT, ROWS_PT)],
        acc_out.at[cid, pl.ds(sid * ROWS_PT, ROWS_PT)],
    )


def _edge_scatter(g, src_p, dst_p):
    mesh = plsc.VectorSubcoreMesh(
        core_axis_name="c", subcore_axis_name="s", num_cores=NC, num_subcores=NS
    )
    return pl.kernel(
        _edge_body,
        out_type=jax.ShapeDtypeStruct((NC, N_PAD, H), jnp.float32),
        mesh=mesh,
        scratch_types=[
            pltpu.VMEM((NCHUNK, CHUNK), jnp.int32),
            pltpu.VMEM((NCHUNK, CHUNK), jnp.int32),
        ]
        + [pltpu.VMEM((CHUNK, H), jnp.float32) for _ in range(NBUF)]
        + [
            pltpu.VMEM((ROWS_PT, H), jnp.float32),
            pltpu.VMEM_SHARED((N_PAD, H), jnp.float32),
            pltpu.VMEM_SHARED((N_PAD, H), jnp.float32),
        ]
        + [pltpu.SemaphoreType.DMA for _ in range(2 * NBUF)],
        compiler_params=pltpu.CompilerParams(
            needs_layout_passes=False, use_tc_tiling_on_sc=False
        ),
    )(g, src_p, dst_p)


def _epilogue_body(acc_ref, g_ref, deg_ref, b_ref, out_ref):
    s = acc_ref[0] + acc_ref[1] + g_ref[...]
    d = jnp.sum(deg_ref[...], axis=0) + 1.0
    dinv = _rsqrt_refined(d)
    y = jnp.maximum(s * dinv[:, None] + b_ref[...], 0.0)
    rows = lax.broadcasted_iota(jnp.int32, (N_PAD, H), 0)
    y = jnp.where(rows < N, y, 0.0)
    k = N_PAD
    while k > 40:
        k //= 2
        y = y[:k] + y[k:2 * k]
    out_ref[...] = jnp.sum(y, axis=0, keepdims=True) * (1.0 / N)


def _epilogue(acc, g, deg_parts, b_gcn, W_out, b_out):
    pooled = pl.pallas_call(
        _epilogue_body,
        out_shape=jax.ShapeDtypeStruct((1, H), jnp.float32),
    )(acc, g, deg_parts, b_gcn.reshape(1, H))
    return pooled @ W_out + b_out


@jax.jit
def kernel(node_features, edge_index, W_gcn, b_gcn, W_out, b_out):
    src = edge_index[0].astype(jnp.int32)
    dst = edge_index[1].astype(jnp.int32)
    pad = jnp.full((E_PAD - E,), N, jnp.int32)
    src_p = jnp.concatenate([src, pad]).reshape(NW, NCHUNK, CHUNK)
    dst_p = jnp.concatenate([dst, pad]).reshape(NW, NCHUNK, CHUNK)
    x_pad = jnp.pad(node_features, ((0, N_PAD - N), (0, 0)))

    deg_parts = _degree_partials(dst)
    g = _scaled_features(x_pad, W_gcn, deg_parts)
    acc = _edge_scatter(g, src_p, dst_p)
    return _epilogue(acc, g, deg_parts, b_gcn, W_out, b_out)

# --- scband reference (transcript-rebuilt; emitter-appended) ---
"""Pipeline reference for scband-dual-gcn-16372415332644 (READ-ONLY COPY).

The authoritative reference and input builder live on the scoring server;
editing this copy changes nothing except your own understanding.
"""

import jax, jax.numpy as jnp
import numpy as np

N_NODES = 10000
D_FEAT = 128
HIDDEN = 32
OUT = 1
N_EDGES = 320000


def setup_inputs(seed: int = 0) -> dict:
    key = jax.random.key(seed)
    k1, k2, k3, k4, k5, k6 = jax.random.split(key, 6)
    x = jax.random.normal(k1, (N_NODES, D_FEAT), dtype=jnp.float32)
    edge_index = jax.random.randint(k2, (2, N_EDGES), 0, N_NODES, dtype=jnp.int64)
    # GCNConv params (glorot-like init)
    W_gcn = jax.random.normal(k3, (D_FEAT, HIDDEN), dtype=jnp.float32) * (1.0 / np.sqrt(D_FEAT))
    b_gcn = jnp.zeros((HIDDEN,), dtype=jnp.float32)
    # Output Linear params
    W_out = jax.random.normal(k4, (HIDDEN, OUT), dtype=jnp.float32) * (1.0 / np.sqrt(HIDDEN))
    b_out = jnp.zeros((OUT,), dtype=jnp.float32)
    return {
        "node_features": x,
        "edge_index": edge_index,
        "W_gcn": W_gcn,
        "b_gcn": b_gcn,
        "W_out": W_out,
        "b_out": b_out,
    }


def _gcn_conv(x, edge_index, W, b):
    # PyG GCNConv: add self-loops, symmetric normalization, x' = D^-1/2 (A+I) D^-1/2 (X W) + b
    n = x.shape[0]
    src = edge_index[0]
    dst = edge_index[1]
    loop = jnp.arange(n, dtype=src.dtype)
    src = jnp.concatenate([src, loop])
    dst = jnp.concatenate([dst, loop])
    ones = jnp.ones(src.shape[0], dtype=x.dtype)
    deg = jax.ops.segment_sum(ones, dst, num_segments=n)
    deg_inv_sqrt = jnp.where(deg > 0, jax.lax.rsqrt(deg), 0.0)
    norm = deg_inv_sqrt[src] * deg_inv_sqrt[dst]
    h = x @ W
    msg = jnp.take(h, src, axis=0) * norm[:, None]
    out = jax.ops.segment_sum(msg, dst, num_segments=n)
    return out + b


def reference(node_features, edge_index, W_gcn, b_gcn, W_out, b_out):
    x = _gcn_conv(node_features, edge_index, W_gcn, b_gcn)
    x = jax.nn.relu(x)
    # global_mean_pool with a single graph (batch all zeros): mean over nodes -> [1, HIDDEN]
    pooled = jnp.mean(x, axis=0, keepdims=True)
    out = pooled @ W_out + b_out
    return out

if __name__ == "__main__":
    import jax
    _d = setup_inputs()
    print(jax.jit(kernel)(*tuple(_d.values())))

</pallas_src>

<mosaic_0001>
#map = affine_map<(d0, d1) -> (0)>
#map1 = affine_map<(d0, d1) -> (0, 0)>
module attributes {stable_mosaic.version = 14 : i64} {
  func.func @_deg_body(%arg0: i32, %arg1: i32, %arg2: memref<320000xi32, #tpu.memory_space<hbm>>, %arg3: memref<32x10240xf32, #tpu.memory_space<hbm>>, %arg4: memref<10000xi32, #tpu.memory_space<vmem>>, %arg5: memref<10240xf32, #tpu.memory_space<vmem>>) attributes {dimension_semantics = [#tpu.dimension_semantics<core_parallel>, #tpu.dimension_semantics<subcore_parallel>], iteration_bounds = array<i64: 2, 16>, scalar_prefetch = 0 : i64, scratch_operands = 2 : i64, tpu.core_type = #tpu.core_type<sc_vector_subcore>, window_params = [{transform_indices = #map}, {transform_indices = #map1}]} {
    %mul3A = arith.constant 2 : i32
    %mul3A_0 = arith.muli %arg1, %mul3A : i32
    %add3A = arith.addi %mul3A_0, %arg0 : i32
    %mul3A_1 = arith.constant 10000 : i32
    %mul3A_2 = arith.muli %add3A, %mul3A_1 : i32
    "tpu.region"() ({
      %run_scoped3A = tpu.sem_alloc : memref<!tpu.dma_semaphore, #tpu.memory_space<semaphore_mem>>
      %dma_start3A = tpu.memref_slice %arg2[%mul3A_2] : memref<320000xi32, #tpu.memory_space<hbm>> -> memref<10000xi32, #tpu.memory_space<hbm>>
      %dma_start3A_15 = tpu.memref_slice %arg2[%mul3A_2] : memref<320000xi32, #tpu.memory_space<hbm>> -> memref<10000xi32, #tpu.memory_space<hbm>>
      tpu.enqueue_dma source(%dma_start3A_15 : memref<10000xi32, #tpu.memory_space<hbm>>) target(%arg4 : memref<10000xi32, #tpu.memory_space<vmem>>) target_semaphore(%run_scoped3A : memref<!tpu.dma_semaphore, #tpu.memory_space<semaphore_mem>>)
      %dma_wait3A = tpu.memref_slice %arg2[%mul3A_2] : memref<320000xi32, #tpu.memory_space<hbm>> -> memref<10000xi32, #tpu.memory_space<hbm>>
      %dma_wait3A_16 = tpu.memref_slice %arg2[%mul3A_2] : memref<320000xi32, #tpu.memory_space<hbm>> -> memref<10000xi32, #tpu.memory_space<hbm>>
      tpu.wait_dma2 semaphore(%run_scoped3A : memref<!tpu.dma_semaphore, #tpu.memory_space<semaphore_mem>>) src(%dma_wait3A_16 : memref<10000xi32, #tpu.memory_space<hbm>>) dst(%arg4 : memref<10000xi32, #tpu.memory_space<vmem>>)
      tpu.yield
    }) : () -> ()
    %broadcast_in_dim3A = arith.constant 0.000000e+00 : f32
    %broadcast_in_dim3A_3 = vector.broadcast %broadcast_in_dim3A : f32 to vector<16xf32>
    %scan3A = arith.constant 0 : i32
    %scan3A_4 = arith.constant 640 : i32
    %scan3A_5 = arith.addi %scan3A, %scan3A_4 : i32
    %scan3A_6 = arith.constant 1 : i32
    scf.for %scan3A_15 = %scan3A to %scan3A_5 step %scan3A_6  : i32 {
      %mul3A_16 = arith.constant 1 : i32
      %mul3A_17 = arith.muli %scan3A_15, %mul3A_16 : i32
      %add3A_18 = arith.constant 0 : i32
      %add3A_19 = arith.addi %add3A_18, %mul3A_17 : i32
      %mul3A_20 = arith.constant 16 : i32
      %mul3A_21 = arith.muli %add3A_19, %mul3A_20 : i32
      %swap3A = arith.index_cast %mul3A_21 : i32 to index
      %swap3A_22 = tpu.vector_load %arg5[%swap3A] {strides = array<i32>} : memref<10240xf32, #tpu.memory_space<vmem>>, vector<16xf32>,
      tpu.vector_store %arg5[%swap3A], %broadcast_in_dim3A_3 {strides = array<i32>} : memref<10240xf32, #tpu.memory_space<vmem>>, vector<16xf32>,
    }
    %scan3A_7 = arith.constant 640 : i32
    %broadcast_in_dim3A_8 = arith.constant 1.000000e+00 : f32
    %broadcast_in_dim3A_9 = vector.broadcast %broadcast_in_dim3A_8 : f32 to vector<16xf32>
    %scan3A_10 = arith.constant 0 : i32
    %scan3A_11 = arith.constant 625 : i32
    %scan3A_12 = arith.addi %scan3A_10, %scan3A_11 : i32
    %scan3A_13 = arith.constant 1 : i32
    scf.for %scan3A_15 = %scan3A_10 to %scan3A_12 step %scan3A_13  : i32 {
      %mul3A_16 = arith.constant 1 : i32
      %mul3A_17 = arith.muli %scan3A_15, %mul3A_16 : i32
      %add3A_18 = arith.constant 0 : i32
      %add3A_19 = arith.addi %add3A_18, %mul3A_17 : i32
      %mul3A_20 = arith.constant 16 : i32
      %mul3A_21 = arith.muli %add3A_19, %mul3A_20 : i32
      %get3A = arith.index_cast %mul3A_21 : i32 to index
      %get3A_22 = tpu.vector_load %arg4[%get3A] {strides = array<i32>} : memref<10000xi32, #tpu.memory_space<vmem>>, vector<16xi32>,
      tpu.vector_store_idx %arg5[%get3A_22], %broadcast_in_dim3A_9 {add = true} : memref<10240xf32, #tpu.memory_space<vmem>>[vector<16xi32>], vector<16xf32>,
    }
    %scan3A_14 = arith.constant 625 : i32
    "tpu.region"() ({
      %run_scoped3A = tpu.sem_alloc : memref<!tpu.dma_semaphore, #tpu.memory_space<semaphore_mem>>
      %dma_start3A = arith.constant 0 : i32
      %dma_start3A_15 = tpu.memref_slice %arg3[%add3A, %dma_start3A] : memref<32x10240xf32, #tpu.memory_space<hbm>> -> memref<1x10240xf32, #tpu.memory_space<hbm>>
      %dma_start3A_16 = tpu.memref_squeeze %dma_start3A_15 : memref<1x10240xf32, #tpu.memory_space<hbm>> -> memref<10240xf32, #tpu.memory_space<hbm>>
      %dma_start3A_17 = arith.constant 0 : i32
      %dma_start3A_18 = tpu.memref_slice %arg3[%add3A, %dma_start3A_17] : memref<32x10240xf32, #tpu.memory_space<hbm>> -> memref<1x10240xf32, #tpu.memory_space<hbm>>
      %dma_start3A_19 = tpu.memref_squeeze %dma_start3A_18 : memref<1x10240xf32, #tpu.memory_space<hbm>> -> memref<10240xf32, #tpu.memory_space<hbm>>
      tpu.enqueue_dma source(%arg5 : memref<10240xf32, #tpu.memory_space<vmem>>) target(%dma_start3A_19 : memref<10240xf32, #tpu.memory_space<hbm>>) target_semaphore(%run_scoped3A : memref<!tpu.dma_semaphore, #tpu.memory_space<semaphore_mem>>)
      %dma_wait3A = arith.constant 0 : i32
      %dma_wait3A_20 = tpu.memref_slice %arg3[%add3A, %dma_wait3A] : memref<32x10240xf32, #tpu.memory_space<hbm>> -> memref<1x10240xf32, #tpu.memory_space<hbm>>
      %dma_wait3A_21 = tpu.memref_squeeze %dma_wait3A_20 : memref<1x10240xf32, #tpu.memory_space<hbm>> -> memref<10240xf32, #tpu.memory_space<hbm>>
      %dma_wait3A_22 = arith.constant 0 : i32
      %dma_wait3A_23 = tpu.memref_slice %arg3[%add3A, %dma_wait3A_22] : memref<32x10240xf32, #tpu.memory_space<hbm>> -> memref<1x10240xf32, #tpu.memory_space<hbm>>
      %dma_wait3A_24 = tpu.memref_squeeze %dma_wait3A_23 : memref<1x10240xf32, #tpu.memory_space<hbm>> -> memref<10240xf32, #tpu.memory_space<hbm>>
      tpu.wait_dma2 semaphore(%run_scoped3A : memref<!tpu.dma_semaphore, #tpu.memory_space<semaphore_mem>>) src(%arg5 : memref<10240xf32, #tpu.memory_space<vmem>>) dst(%dma_wait3A_24 : memref<10240xf32, #tpu.memory_space<hbm>>)
      tpu.yield
    }) : () -> ()
    return
  }
}

#map = affine_map<(d0, d1) -> (0, 0)>
#map1 = affine_map<(d0, d1) -> (0, 0, 0)>
module attributes {stable_mosaic.version = 14 : i64} {
  func.func @_edge_body(%arg0: i32, %arg1: i32, %arg2: memref<10240x32xf32, #tpu.memory_space<hbm>>, %arg3: memref<32x80x128xi32, #tpu.memory_space<hbm>>, %arg4: memref<32x80x128xi32, #tpu.memory_space<hbm>>, %arg5: memref<2x10240x32xf32, #tpu.memory_space<hbm>>, %arg6: memref<80x128xi32, #tpu.memory_space<vmem>>, %arg7: memref<80x128xi32, #tpu.memory_space<vmem>>, %arg8: memref<128x32xf32, #tpu.memory_space<vmem>>, %arg9: memref<128x32xf32, #tpu.memory_space<vmem>>, %arg10: memref<128x32xf32, #tpu.memory_space<vmem>>, %arg11: memref<128x32xf32, #tpu.memory_space<vmem>>, %arg12: memref<640x32xf32, #tpu.memory_space<vmem>>, %arg13: memref<10240x32xf32, #tpu.memory_space<vmem_shared>>, %arg14: memref<10240x32xf32, #tpu.memory_space<vmem_shared>>, %arg15: memref<!tpu.dma_semaphore, #tpu.memory_space<semaphore_mem>>, %arg16: memref<!tpu.dma_semaphore, #tpu.memory_space<semaphore_mem>>, %arg17: memref<!tpu.dma_semaphore, #tpu.memory_space<semaphore_mem>>, %arg18: memref<!tpu.dma_semaphore, #tpu.memory_space<semaphore_mem>>, %arg19: memref<!tpu.dma_semaphore, #tpu.memory_space<semaphore_mem>>, %arg20: memref<!tpu.dma_semaphore, #tpu.memory_space<semaphore_mem>>, %arg21: memref<!tpu.dma_semaphore, #tpu.memory_space<semaphore_mem>>, %arg22: memref<!tpu.dma_semaphore, #tpu.memory_space<semaphore_mem>>) attributes {dimension_semantics = [#tpu.dimension_semantics<core_parallel>, #tpu.dimension_semantics<subcore_parallel>], iteration_bounds = array<i64: 2, 16>, scalar_prefetch = 0 : i64, scratch_operands = 17 : i64, tpu.core_type = #tpu.core_type<sc_vector_subcore>, window_params = [{transform_indices = #map}, {transform_indices = #map1}, {transform_indices = #map1}, {transform_indices = #map1}]} {
    %mul3A = arith.constant 2 : i32
    %mul3A_0 = arith.muli %arg1, %mul3A : i32
    %add3A = arith.addi %mul3A_0, %arg0 : i32
    "tpu.region"() ({
      %run_scoped3A_79 = tpu.sem_alloc : memref<!tpu.dma_semaphore, #tpu.memory_space<semaphore_mem>>
      %dma_start3A_80 = arith.constant 0 : i32
      %dma_start3A_81 = arith.constant 0 : i32
      %dma_start3A_82 = tpu.memref_slice %arg3[%add3A, %dma_start3A_80, %dma_start3A_81] : memref<32x80x128xi32, #tpu.memory_space<hbm>> -> memref<1x80x128xi32, #tpu.memory_space<hbm>>
      %dma_start3A_83 = tpu.memref_squeeze %dma_start3A_82 : memref<1x80x128xi32, #tpu.memory_space<hbm>> -> memref<80x128xi32, #tpu.memory_space<hbm>>
      %dma_start3A_84 = arith.constant 0 : i32
      %dma_start3A_85 = arith.constant 0 : i32
      %dma_start3A_86 = tpu.memref_slice %arg3[%add3A, %dma_start3A_84, %dma_start3A_85] : memref<32x80x128xi32, #tpu.memory_space<hbm>> -> memref<1x80x128xi32, #tpu.memory_space<hbm>>
      %dma_start3A_87 = tpu.memref_squeeze %dma_start3A_86 : memref<1x80x128xi32, #tpu.memory_space<hbm>> -> memref<80x128xi32, #tpu.memory_space<hbm>>
      tpu.enqueue_dma source(%dma_start3A_87 : memref<80x128xi32, #tpu.memory_space<hbm>>) target(%arg6 : memref<80x128xi32, #tpu.memory_space<vmem>>) target_semaphore(%run_scoped3A_79 : memref<!tpu.dma_semaphore, #tpu.memory_space<semaphore_mem>>)
      %dma_wait3A_88 = arith.constant 0 : i32
      %dma_wait3A_89 = arith.constant 0 : i32
      %dma_wait3A_90 = tpu.memref_slice %arg3[%add3A, %dma_wait3A_88, %dma_wait3A_89] : memref<32x80x128xi32, #tpu.memory_space<hbm>> -> memref<1x80x128xi32, #tpu.memory_space<hbm>>
      %dma_wait3A_91 = tpu.memref_squeeze %dma_wait3A_90 : memref<1x80x128xi32, #tpu.memory_space<hbm>> -> memref<80x128xi32, #tpu.memory_space<hbm>>
      %dma_wait3A_92 = arith.constant 0 : i32
      %dma_wait3A_93 = arith.constant 0 : i32
      %dma_wait3A_94 = tpu.memref_slice %arg3[%add3A, %dma_wait3A_92, %dma_wait3A_93] : memref<32x80x128xi32, #tpu.memory_space<hbm>> -> memref<1x80x128xi32, #tpu.memory_space<hbm>>
      %dma_wait3A_95 = tpu.memref_squeeze %dma_wait3A_94 : memref<1x80x128xi32, #tpu.memory_space<hbm>> -> memref<80x128xi32, #tpu.memory_space<hbm>>
      tpu.wait_dma2 semaphore(%run_scoped3A_79 : memref<!tpu.dma_semaphore, #tpu.memory_space<semaphore_mem>>) src(%dma_wait3A_95 : memref<80x128xi32, #tpu.memory_space<hbm>>) dst(%arg6 : memref<80x128xi32, #tpu.memory_space<vmem>>)
      tpu.yield
    }) : () -> ()
    "tpu.region"() ({
      %run_scoped3A_79 = tpu.sem_alloc : memref<!tpu.dma_semaphore, #tpu.memory_space<semaphore_mem>>
      %dma_start3A_80 = arith.constant 0 : i32
      %dma_start3A_81 = arith.constant 0 : i32
      %dma_start3A_82 = tpu.memref_slice %arg4[%add3A, %dma_start3A_80, %dma_start3A_81] : memref<32x80x128xi32, #tpu.memory_space<hbm>> -> memref<1x80x128xi32, #tpu.memory_space<hbm>>
      %dma_start3A_83 = tpu.memref_squeeze %dma_start3A_82 : memref<1x80x128xi32, #tpu.memory_space<hbm>> -> memref<80x128xi32, #tpu.memory_space<hbm>>
      %dma_start3A_84 = arith.constant 0 : i32
      %dma_start3A_85 = arith.constant 0 : i32
      %dma_start3A_86 = tpu.memref_slice %arg4[%add3A, %dma_start3A_84, %dma_start3A_85] : memref<32x80x128xi32, #tpu.memory_space<hbm>> -> memref<1x80x128xi32, #tpu.memory_space<hbm>>
      %dma_start3A_87 = tpu.memref_squeeze %dma_start3A_86 : memref<1x80x128xi32, #tpu.memory_space<hbm>> -> memref<80x128xi32, #tpu.memory_space<hbm>>
      tpu.enqueue_dma source(%dma_start3A_87 : memref<80x128xi32, #tpu.memory_space<hbm>>) target(%arg7 : memref<80x128xi32, #tpu.memory_space<vmem>>) target_semaphore(%run_scoped3A_79 : memref<!tpu.dma_semaphore, #tpu.memory_space<semaphore_mem>>)
      %dma_wait3A_88 = arith.constant 0 : i32
      %dma_wait3A_89 = arith.constant 0 : i32
      %dma_wait3A_90 = tpu.memref_slice %arg4[%add3A, %dma_wait3A_88, %dma_wait3A_89] : memref<32x80x128xi32, #tpu.memory_space<hbm>> -> memref<1x80x128xi32, #tpu.memory_space<hbm>>
      %dma_wait3A_91 = tpu.memref_squeeze %dma_wait3A_90 : memref<1x80x128xi32, #tpu.memory_space<hbm>> -> memref<80x128xi32, #tpu.memory_space<hbm>>
      %dma_wait3A_92 = arith.constant 0 : i32
      %dma_wait3A_93 = arith.constant 0 : i32
      %dma_wait3A_94 = tpu.memref_slice %arg4[%add3A, %dma_wait3A_92, %dma_wait3A_93] : memref<32x80x128xi32, #tpu.memory_space<hbm>> -> memref<1x80x128xi32, #tpu.memory_space<hbm>>
      %dma_wait3A_95 = tpu.memref_squeeze %dma_wait3A_94 : memref<1x80x128xi32, #tpu.memory_space<hbm>> -> memref<80x128xi32, #tpu.memory_space<hbm>>
      tpu.wait_dma2 semaphore(%run_scoped3A_79 : memref<!tpu.dma_semaphore, #tpu.memory_space<semaphore_mem>>) src(%dma_wait3A_95 : memref<80x128xi32, #tpu.memory_space<hbm>>) dst(%arg7 : memref<80x128xi32, #tpu.memory_space<vmem>>)
      tpu.yield
    }) : () -> ()
    %mul3A_1 = arith.constant 640 : i32
    %mul3A_2 = arith.muli %arg1, %mul3A_1 : i32
    %mul3A_3 = arith.constant 640 : i32
    %mul3A_4 = arith.muli %arg1, %mul3A_3 : i32
    "tpu.region"() ({
      %run_scoped3A_79 = tpu.sem_alloc : memref<!tpu.dma_semaphore, #tpu.memory_space<semaphore_mem>>
      %dma_start3A_80 = arith.constant 0 : i32
      %dma_start3A_81 = tpu.memref_slice %arg14[%mul3A_4, %dma_start3A_80] : memref<10240x32xf32, #tpu.memory_space<vmem_shared>> -> memref<640x32xf32, #tpu.memory_space<vmem_shared>>
      %dma_start3A_82 = arith.constant 0 : i32
      %dma_start3A_83 = tpu.memref_slice %arg2[%mul3A_2, %dma_start3A_82] : memref<10240x32xf32, #tpu.memory_space<hbm>> -> memref<640x32xf32, #tpu.memory_space<hbm>>
      tpu.enqueue_dma source(%dma_start3A_83 : memref<640x32xf32, #tpu.memory_space<hbm>>) target(%dma_start3A_81 : memref<640x32xf32, #tpu.memory_space<vmem_shared>>) target_semaphore(%run_scoped3A_79 : memref<!tpu.dma_semaphore, #tpu.memory_space<semaphore_mem>>)
      %dma_wait3A_84 = arith.constant 0 : i32
      %dma_wait3A_85 = tpu.memref_slice %arg14[%mul3A_4, %dma_wait3A_84] : memref<10240x32xf32, #tpu.memory_space<vmem_shared>> -> memref<640x32xf32, #tpu.memory_space<vmem_shared>>
      %dma_wait3A_86 = arith.constant 0 : i32
      %dma_wait3A_87 = tpu.memref_slice %arg2[%mul3A_2, %dma_wait3A_86] : memref<10240x32xf32, #tpu.memory_space<hbm>> -> memref<640x32xf32, #tpu.memory_space<hbm>>
      tpu.wait_dma2 semaphore(%run_scoped3A_79 : memref<!tpu.dma_semaphore, #tpu.memory_space<semaphore_mem>>) src(%dma_wait3A_87 : memref<640x32xf32, #tpu.memory_space<hbm>>) dst(%dma_wait3A_85 : memref<640x32xf32, #tpu.memory_space<vmem_shared>>)
      tpu.yield
    }) : () -> ()
    %broadcast_in_dim3A = arith.constant 0.000000e+00 : f32
    %broadcast_in_dim3A_5 = vector.broadcast %broadcast_in_dim3A : f32 to vector<16xf32>
    %scan3A = arith.constant 0 : i32
    %scan3A_6 = arith.constant 640 : i32
    %scan3A_7 = arith.addi %scan3A, %scan3A_6 : i32
    %scan3A_8 = arith.constant 1 : i32
    scf.for %scan3A_79 = %scan3A to %scan3A_7 step %scan3A_8  : i32 {
      %mul3A_80 = arith.constant 1 : i32
      %mul3A_81 = arith.muli %scan3A_79, %mul3A_80 : i32
      %add3A_82 = arith.constant 0 : i32
      %add3A_83 = arith.addi %add3A_82, %mul3A_81 : i32
      %swap3A = arith.index_cast %add3A_83 : i32 to index
      %swap3A_84 = arith.constant 0 : index
      %swap3A_85 = tpu.vector_load %arg12[%swap3A, %swap3A_84] {strides = array<i32>} : memref<640x32xf32, #tpu.memory_space<vmem>>, vector<16xf32>,
      tpu.vector_store %arg12[%swap3A, %swap3A_84], %broadcast_in_dim3A_5 {strides = array<i32>} : memref<640x32xf32, #tpu.memory_space<vmem>>, vector<16xf32>,
      %swap3A_86 = arith.index_cast %add3A_83 : i32 to index
      %swap3A_87 = arith.constant 16 : index
      %swap3A_88 = tpu.vector_load %arg12[%swap3A_86, %swap3A_87] {strides = array<i32>} : memref<640x32xf32, #tpu.memory_space<vmem>>, vector<16xf32>,
      tpu.vector_store %arg12[%swap3A_86, %swap3A_87], %broadcast_in_dim3A_5 {strides = array<i32>} : memref<640x32xf32, #tpu.memory_space<vmem>>, vector<16xf32>,
    }
    %scan3A_9 = arith.constant 640 : i32
    %mul3A_10 = arith.constant 640 : i32
    %mul3A_11 = arith.muli %arg1, %mul3A_10 : i32
    "tpu.region"() ({
      %run_scoped3A_79 = tpu.sem_alloc : memref<!tpu.dma_semaphore, #tpu.memory_space<semaphore_mem>>
      %dma_start3A_80 = arith.constant 0 : i32
      %dma_start3A_81 = tpu.memref_slice %arg13[%mul3A_11, %dma_start3A_80] : memref<10240x32xf32, #tpu.memory_space<vmem_shared>> -> memref<640x32xf32, #tpu.memory_space<vmem_shared>>
      %dma_start3A_82 = arith.constant 0 : i32
      %dma_start3A_83 = tpu.memref_slice %arg13[%mul3A_11, %dma_start3A_82] : memref<10240x32xf32, #tpu.memory_space<vmem_shared>> -> memref<640x32xf32, #tpu.memory_space<vmem_shared>>
      tpu.enqueue_dma source(%arg12 : memref<640x32xf32, #tpu.memory_space<vmem>>) target(%dma_start3A_83 : memref<640x32xf32, #tpu.memory_space<vmem_shared>>) target_semaphore(%run_scoped3A_79 : memref<!tpu.dma_semaphore, #tpu.memory_space<semaphore_mem>>)
      %dma_wait3A_84 = arith.constant 0 : i32
      %dma_wait3A_85 = tpu.memref_slice %arg13[%mul3A_11, %dma_wait3A_84] : memref<10240x32xf32, #tpu.memory_space<vmem_shared>> -> memref<640x32xf32, #tpu.memory_space<vmem_shared>>
      %dma_wait3A_86 = arith.constant 0 : i32
      %dma_wait3A_87 = tpu.memref_slice %arg13[%mul3A_11, %dma_wait3A_86] : memref<10240x32xf32, #tpu.memory_space<vmem_shared>> -> memref<640x32xf32, #tpu.memory_space<vmem_shared>>
      tpu.wait_dma2 semaphore(%run_scoped3A_79 : memref<!tpu.dma_semaphore, #tpu.memory_space<semaphore_mem>>) src(%arg12 : memref<640x32xf32, #tpu.memory_space<vmem>>) dst(%dma_wait3A_87 : memref<640x32xf32, #tpu.memory_space<vmem_shared>>)
      tpu.yield
    }) : () -> ()
    %barrier3A = arith.constant 0 : index
    tpu.barrier barrier_id(%barrier3A)
    %dma_start3A = arith.constant 0 : i32
    %dma_start3A_12 = arith.constant 0 : i32
    %dma_start3A_13 = tpu.memref_slice %arg6[%dma_start3A, %dma_start3A_12] : memref<80x128xi32, #tpu.memory_space<vmem>> -> memref<1x128xi32, #tpu.memory_space<vmem>>
    %dma_start3A_14 = tpu.memref_squeeze %dma_start3A_13 : memref<1x128xi32, #tpu.memory_space<vmem>> -> memref<128xi32, #tpu.memory_space<vmem>>
    %dma_start3A_15 = arith.constant 0 : i32
    %dma_start3A_16 = arith.constant 0 : i32
    %dma_start3A_17 = tpu.memref_slice %arg14[%dma_start3A_15, %dma_start3A_16] : memref<10240x32xf32, #tpu.memory_space<vmem_shared>> -> memref<10240x32xf32, #tpu.memory_space<vmem_shared>>
    tpu.enqueue_indirect_dma source(%dma_start3A_17 : memref<10240x32xf32, #tpu.memory_space<vmem_shared>>) target(%arg8 : memref<128x32xf32, #tpu.memory_space<vmem>>) offsets(%dma_start3A_14 : memref<128xi32, #tpu.memory_space<vmem>>) semaphore(%arg15 : memref<!tpu.dma_semaphore, #tpu.memory_space<semaphore_mem>>)
    %dma_start3A_18 = arith.constant 1 : i32
    %dma_start3A_19 = arith.constant 0 : i32
    %dma_start3A_20 = tpu.memref_slice %arg6[%dma_start3A_18, %dma_start3A_19] : memref<80x128xi32, #tpu.memory_space<vmem>> -> memref<1x128xi32, #tpu.memory_space<vmem>>
    %dma_start3A_21 = tpu.memref_squeeze %dma_start3A_20 : memref<1x128xi32, #tpu.memory_space<vmem>> -> memref<128xi32, #tpu.memory_space<vmem>>
    %dma_start3A_22 = arith.constant 0 : i32
    %dma_start3A_23 = arith.constant 0 : i32
    %dma_start3A_24 = tpu.memref_slice %arg14[%dma_start3A_22, %dma_start3A_23] : memref<10240x32xf32, #tpu.memory_space<vmem_shared>> -> memref<10240x32xf32, #tpu.memory_space<vmem_shared>>
    tpu.enqueue_indirect_dma source(%dma_start3A_24 : memref<10240x32xf32, #tpu.memory_space<vmem_shared>>) target(%arg9 : memref<128x32xf32, #tpu.memory_space<vmem>>) offsets(%dma_start3A_21 : memref<128xi32, #tpu.memory_space<vmem>>) semaphore(%arg16 : memref<!tpu.dma_semaphore, #tpu.memory_space<semaphore_mem>>)
    %dma_start3A_25 = arith.constant 2 : i32
    %dma_start3A_26 = arith.constant 0 : i32
    %dma_start3A_27 = tpu.memref_slice %arg6[%dma_start3A_25, %dma_start3A_26] : memref<80x128xi32, #tpu.memory_space<vmem>> -> memref<1x128xi32, #tpu.memory_space<vmem>>
    %dma_start3A_28 = tpu.memref_squeeze %dma_start3A_27 : memref<1x128xi32, #tpu.memory_space<vmem>> -> memref<128xi32, #tpu.memory_space<vmem>>
    %dma_start3A_29 = arith.constant 0 : i32
    %dma_start3A_30 = arith.constant 0 : i32
    %dma_start3A_31 = tpu.memref_slice %arg14[%dma_start3A_29, %dma_start3A_30] : memref<10240x32xf32, #tpu.memory_space<vmem_shared>> -> memref<10240x32xf32, #tpu.memory_space<vmem_shared>>
    tpu.enqueue_indirect_dma source(%dma_start3A_31 : memref<10240x32xf32, #tpu.memory_space<vmem_shared>>) target(%arg10 : memref<128x32xf32, #tpu.memory_space<vmem>>) offsets(%dma_start3A_28 : memref<128xi32, #tpu.memory_space<vmem>>) semaphore(%arg17 : memref<!tpu.dma_semaphore, #tpu.memory_space<semaphore_mem>>)
    %dma_start3A_32 = arith.constant 3 : i32
    %dma_start3A_33 = arith.constant 0 : i32
    %dma_start3A_34 = tpu.memref_slice %arg6[%dma_start3A_32, %dma_start3A_33] : memref<80x128xi32, #tpu.memory_space<vmem>> -> memref<1x128xi32, #tpu.memory_space<vmem>>
    %dma_start3A_35 = tpu.memref_squeeze %dma_start3A_34 : memref<1x128xi32, #tpu.memory_space<vmem>> -> memref<128xi32, #tpu.memory_space<vmem>>
    %dma_start3A_36 = arith.constant 0 : i32
    %dma_start3A_37 = arith.constant 0 : i32
    %dma_start3A_38 = tpu.memref_slice %arg14[%dma_start3A_36, %dma_start3A_37] : memref<10240x32xf32, #tpu.memory_space<vmem_shared>> -> memref<10240x32xf32, #tpu.memory_space<vmem_shared>>
    tpu.enqueue_indirect_dma source(%dma_start3A_38 : memref<10240x32xf32, #tpu.memory_space<vmem_shared>>) target(%arg11 : memref<128x32xf32, #tpu.memory_space<vmem>>) offsets(%dma_start3A_35 : memref<128xi32, #tpu.memory_space<vmem>>) semaphore(%arg18 : memref<!tpu.dma_semaphore, #tpu.memory_space<semaphore_mem>>)
    %scan3A_39 = arith.constant 0 : i32
    %scan3A_40 = arith.constant 19 : i32
    %scan3A_41 = arith.addi %scan3A_39, %scan3A_40 : i32
    %scan3A_42 = arith.constant 1 : i32
    scf.for %scan3A_79 = %scan3A_39 to %scan3A_41 step %scan3A_42  : i32 {
      %mul3A_80 = arith.constant 4 : i32
      %mul3A_81 = arith.muli %scan3A_79, %mul3A_80 : i32
      %add3A_82 = arith.constant 0 : i32
      %add3A_83 = arith.addi %add3A_82, %mul3A_81 : i32
      %add3A_84 = arith.constant 0 : i32
      %add3A_85 = arith.addi %add3A_83, %add3A_84 : i32
      %dma_wait3A_86 = arith.constant 0 : i32
      %dma_wait3A_87 = tpu.memref_slice %arg6[%add3A_85, %dma_wait3A_86] : memref<80x128xi32, #tpu.memory_space<vmem>> -> memref<1x128xi32, #tpu.memory_space<vmem>>
      %dma_wait3A_88 = tpu.memref_squeeze %dma_wait3A_87 : memref<1x128xi32, #tpu.memory_space<vmem>> -> memref<128xi32, #tpu.memory_space<vmem>>
      %dma_wait3A_89 = arith.constant 0 : i32
      %dma_wait3A_90 = arith.constant 0 : i32
      %dma_wait3A_91 = tpu.memref_slice %arg14[%dma_wait3A_89, %dma_wait3A_90] : memref<10240x32xf32, #tpu.memory_space<vmem_shared>> -> memref<10240x32xf32, #tpu.memory_space<vmem_shared>>
      tpu.wait_indirect_dma semaphore(%arg15 : memref<!tpu.dma_semaphore, #tpu.memory_space<semaphore_mem>>) src(%dma_wait3A_91 : memref<10240x32xf32, #tpu.memory_space<vmem_shared>>) dst(%arg8 : memref<128x32xf32, #tpu.memory_space<vmem>>)
      %add3A_92 = arith.constant 0 : i32
      %add3A_93 = arith.addi %add3A_83, %add3A_92 : i32
      "tpu.region"() ({
        %run_scoped3A_164 = tpu.sem_alloc : memref<!tpu.dma_semaphore, #tpu.memory_space<semaphore_mem>>
        %dma_start3A_165 = arith.constant 0 : i32
        %dma_start3A_166 = tpu.memref_slice %arg7[%add3A_93, %dma_start3A_165] : memref<80x128xi32, #tpu.memory_space<vmem>> -> memref<1x128xi32, #tpu.memory_space<vmem>>
        %dma_start3A_167 = tpu.memref_squeeze %dma_start3A_166 : memref<1x128xi32, #tpu.memory_space<vmem>> -> memref<128xi32, #tpu.memory_space<vmem>>
        %dma_start3A_168 = arith.constant 0 : i32
        %dma_start3A_169 = arith.constant 0 : i32
        %dma_start3A_170 = tpu.memref_slice %arg13[%dma_start3A_168, %dma_start3A_169] : memref<10240x32xf32, #tpu.memory_space<vmem_shared>> -> memref<10240x32xf32, #tpu.memory_space<vmem_shared>>
        tpu.enqueue_indirect_dma source(%arg8 : memref<128x32xf32, #tpu.memory_space<vmem>>) target(%dma_start3A_170 : memref<10240x32xf32, #tpu.memory_space<vmem_shared>>) offsets(%dma_start3A_167 : memref<128xi32, #tpu.memory_space<vmem>>) semaphore(%run_scoped3A_164 : memref<!tpu.dma_semaphore, #tpu.memory_space<semaphore_mem>>) {add = true}
        %dma_wait3A_171 = arith.constant 0 : i32
        %dma_wait3A_172 = tpu.memref_slice %arg7[%add3A_93, %dma_wait3A_171] : memref<80x128xi32, #tpu.memory_space<vmem>> -> memref<1x128xi32, #tpu.memory_space<vmem>>
        %dma_wait3A_173 = tpu.memref_squeeze %dma_wait3A_172 : memref<1x128xi32, #tpu.memory_space<vmem>> -> memref<128xi32, #tpu.memory_space<vmem>>
        %dma_wait3A_174 = arith.constant 0 : i32
        %dma_wait3A_175 = arith.constant 0 : i32
        %dma_wait3A_176 = tpu.memref_slice %arg13[%dma_wait3A_174, %dma_wait3A_175] : memref<10240x32xf32, #tpu.memory_space<vmem_shared>> -> memref<10240x32xf32, #tpu.memory_space<vmem_shared>>
        tpu.wait_indirect_dma semaphore(%run_scoped3A_164 : memref<!tpu.dma_semaphore, #tpu.memory_space<semaphore_mem>>) src(%arg8 : memref<128x32xf32, #tpu.memory_space<vmem>>) dst(%dma_wait3A_176 : memref<10240x32xf32, #tpu.memory_space<vmem_shared>>)
        tpu.yield
      }) : () -> ()
      %add3A_94 = arith.constant 4 : i32
      %add3A_95 = arith.addi %add3A_83, %add3A_94 : i32
      %add3A_96 = arith.constant 0 : i32
      %add3A_97 = arith.addi %add3A_95, %add3A_96 : i32
      %dma_start3A_98 = arith.constant 0 : i32
      %dma_start3A_99 = tpu.memref_slice %arg6[%add3A_97, %dma_start3A_98] : memref<80x128xi32, #tpu.memory_space<vmem>> -> memref<1x128xi32, #tpu.memory_space<vmem>>
      %dma_start3A_100 = tpu.memref_squeeze %dma_start3A_99 : memref<1x128xi32, #tpu.memory_space<vmem>> -> memref<128xi32, #tpu.memory_space<vmem>>
      %dma_start3A_101 = arith.constant 0 : i32
      %dma_start3A_102 = arith.constant 0 : i32
      %dma_start3A_103 = tpu.memref_slice %arg14[%dma_start3A_101, %dma_start3A_102] : memref<10240x32xf32, #tpu.memory_space<vmem_shared>> -> memref<10240x32xf32, #tpu.memory_space<vmem_shared>>
      tpu.enqueue_indirect_dma source(%dma_start3A_103 : memref<10240x32xf32, #tpu.memory_space<vmem_shared>>) target(%arg8 : memref<128x32xf32, #tpu.memory_space<vmem>>) offsets(%dma_start3A_100 : memref<128xi32, #tpu.memory_space<vmem>>) semaphore(%arg15 : memref<!tpu.dma_semaphore, #tpu.memory_space<semaphore_mem>>)
      %add3A_104 = arith.constant 1 : i32
      %add3A_105 = arith.addi %add3A_83, %add3A_104 : i32
      %dma_wait3A_106 = arith.constant 0 : i32
      %dma_wait3A_107 = tpu.memref_slice %arg6[%add3A_105, %dma_wait3A_106] : memref<80x128xi32, #tpu.memory_space<vmem>> -> memref<1x128xi32, #tpu.memory_space<vmem>>
      %dma_wait3A_108 = tpu.memref_squeeze %dma_wait3A_107 : memref<1x128xi32, #tpu.memory_space<vmem>> -> memref<128xi32, #tpu.memory_space<vmem>>
      %dma_wait3A_109 = arith.constant 0 : i32
      %dma_wait3A_110 = arith.constant 0 : i32
      %dma_wait3A_111 = tpu.memref_slice %arg14[%dma_wait3A_109, %dma_wait3A_110] : memref<10240x32xf32, #tpu.memory_space<vmem_shared>> -> memref<10240x32xf32, #tpu.memory_space<vmem_shared>>
      tpu.wait_indirect_dma semaphore(%arg16 : memref<!tpu.dma_semaphore, #tpu.memory_space<semaphore_mem>>) src(%dma_wait3A_111 : memref<10240x32xf32, #tpu.memory_space<vmem_shared>>) dst(%arg9 : memref<128x32xf32, #tpu.memory_space<vmem>>)
      %add3A_112 = arith.constant 1 : i32
      %add3A_113 = arith.addi %add3A_83, %add3A_112 : i32
      "tpu.region"() ({
        %run_scoped3A_164 = tpu.sem_alloc : memref<!tpu.dma_semaphore, #tpu.memory_space<semaphore_mem>>
        %dma_start3A_165 = arith.constant 0 : i32
        %dma_start3A_166 = tpu.memref_slice %arg7[%add3A_113, %dma_start3A_165] : memref<80x128xi32, #tpu.memory_space<vmem>> -> memref<1x128xi32, #tpu.memory_space<vmem>>
        %dma_start3A_167 = tpu.memref_squeeze %dma_start3A_166 : memref<1x128xi32, #tpu.memory_space<vmem>> -> memref<128xi32, #tpu.memory_space<vmem>>
        %dma_start3A_168 = arith.constant 0 : i32
        %dma_start3A_169 = arith.constant 0 : i32
        %dma_start3A_170 = tpu.memref_slice %arg13[%dma_start3A_168, %dma_start3A_169] : memref<10240x32xf32, #tpu.memory_space<vmem_shared>> -> memref<10240x32xf32, #tpu.memory_space<vmem_shared>>
        tpu.enqueue_indirect_dma source(%arg9 : memref<128x32xf32, #tpu.memory_space<vmem>>) target(%dma_start3A_170 : memref<10240x32xf32, #tpu.memory_space<vmem_shared>>) offsets(%dma_start3A_167 : memref<128xi32, #tpu.memory_space<vmem>>) semaphore(%run_scoped3A_164 : memref<!tpu.dma_semaphore, #tpu.memory_space<semaphore_mem>>) {add = true}
        %dma_wait3A_171 = arith.constant 0 : i32
        %dma_wait3A_172 = tpu.memref_slice %arg7[%add3A_113, %dma_wait3A_171] : memref<80x128xi32, #tpu.memory_space<vmem>> -> memref<1x128xi32, #tpu.memory_space<vmem>>
        %dma_wait3A_173 = tpu.memref_squeeze %dma_wait3A_172 : memref<1x128xi32, #tpu.memory_space<vmem>> -> memref<128xi32, #tpu.memory_space<vmem>>
        %dma_wait3A_174 = arith.constant 0 : i32
        %dma_wait3A_175 = arith.constant 0 : i32
        %dma_wait3A_176 = tpu.memref_slice %arg13[%dma_wait3A_174, %dma_wait3A_175] : memref<10240x32xf32, #tpu.memory_space<vmem_shared>> -> memref<10240x32xf32, #tpu.memory_space<vmem_shared>>
        tpu.wait_indirect_dma semaphore(%run_scoped3A_164 : memref<!tpu.dma_semaphore, #tpu.memory_space<semaphore_mem>>) src(%arg9 : memref<128x32xf32, #tpu.memory_space<vmem>>) dst(%dma_wait3A_176 : memref<10240x32xf32, #tpu.memory_space<vmem_shared>>)
        tpu.yield
      }) : () -> ()
      %add3A_114 = arith.constant 4 : i32
      %add3A_115 = arith.addi %add3A_83, %add3A_114 : i32
      %add3A_116 = arith.constant 1 : i32
      %add3A_117 = arith.addi %add3A_115, %add3A_116 : i32
      %dma_start3A_118 = arith.constant 0 : i32
      %dma_start3A_119 = tpu.memref_slice %arg6[%add3A_117, %dma_start3A_118] : memref<80x128xi32, #tpu.memory_space<vmem>> -> memref<1x128xi32, #tpu.memory_space<vmem>>
      %dma_start3A_120 = tpu.memref_squeeze %dma_start3A_119 : memref<1x128xi32, #tpu.memory_space<vmem>> -> memref<128xi32, #tpu.memory_space<vmem>>
      %dma_start3A_121 = arith.constant 0 : i32
      %dma_start3A_122 = arith.constant 0 : i32
      %dma_start3A_123 = tpu.memref_slice %arg14[%dma_start3A_121, %dma_start3A_122] : memref<10240x32xf32, #tpu.memory_space<vmem_shared>> -> memref<10240x32xf32, #tpu.memory_space<vmem_shared>>
      tpu.enqueue_indirect_dma source(%dma_start3A_123 : memref<10240x32xf32, #tpu.memory_space<vmem_shared>>) target(%arg9 : memref<128x32xf32, #tpu.memory_space<vmem>>) offsets(%dma_start3A_120 : memref<128xi32, #tpu.memory_space<vmem>>) semaphore(%arg16 : memref<!tpu.dma_semaphore, #tpu.memory_space<semaphore_mem>>)
      %add3A_124 = arith.constant 2 : i32
      %add3A_125 = arith.addi %add3A_83, %add3A_124 : i32
      %dma_wait3A_126 = arith.constant 0 : i32
      %dma_wait3A_127 = tpu.memref_slice %arg6[%add3A_125, %dma_wait3A_126] : memref<80x128xi32, #tpu.memory_space<vmem>> -> memref<1x128xi32, #tpu.memory_space<vmem>>
      %dma_wait3A_128 = tpu.memref_squeeze %dma_wait3A_127 : memref<1x128xi32, #tpu.memory_space<vmem>> -> memref<128xi32, #tpu.memory_space<vmem>>
      %dma_wait3A_129 = arith.constant 0 : i32
      %dma_wait3A_130 = arith.constant 0 : i32
      %dma_wait3A_131 = tpu.memref_slice %arg14[%dma_wait3A_129, %dma_wait3A_130] : memref<10240x32xf32, #tpu.memory_space<vmem_shared>> -> memref<10240x32xf32, #tpu.memory_space<vmem_shared>>
      tpu.wait_indirect_dma semaphore(%arg17 : memref<!tpu.dma_semaphore, #tpu.memory_space<semaphore_mem>>) src(%dma_wait3A_131 : memref<10240x32xf32, #tpu.memory_space<vmem_shared>>) dst(%arg10 : memref<128x32xf32, #tpu.memory_space<vmem>>)
      %add3A_132 = arith.constant 2 : i32
      %add3A_133 = arith.addi %add3A_83, %add3A_132 : i32
      "tpu.region"() ({
        %run_scoped3A_164 = tpu.sem_alloc : memref<!tpu.dma_semaphore, #tpu.memory_space<semaphore_mem>>
        %dma_start3A_165 = arith.constant 0 : i32
        %dma_start3A_166 = tpu.memref_slice %arg7[%add3A_133, %dma_start3A_165] : memref<80x128xi32, #tpu.memory_space<vmem>> -> memref<1x128xi32, #tpu.memory_space<vmem>>
        %dma_start3A_167 = tpu.memref_squeeze %dma_start3A_166 : memref<1x128xi32, #tpu.memory_space<vmem>> -> memref<128xi32, #tpu.memory_space<vmem>>
        %dma_start3A_168 = arith.constant 0 : i32
        %dma_start3A_169 = arith.constant 0 : i32
        %dma_start3A_170 = tpu.memref_slice %arg13[%dma_start3A_168, %dma_start3A_169] : memref<10240x32xf32, #tpu.memory_space<vmem_shared>> -> memref<10240x32xf32, #tpu.memory_space<vmem_shared>>
        tpu.enqueue_indirect_dma source(%arg10 : memref<128x32xf32, #tpu.memory_space<vmem>>) target(%dma_start3A_170 : memref<10240x32xf32, #tpu.memory_space<vmem_shared>>) offsets(%dma_start3A_167 : memref<128xi32, #tpu.memory_space<vmem>>) semaphore(%run_scoped3A_164 : memref<!tpu.dma_semaphore, #tpu.memory_space<semaphore_mem>>) {add = true}
        %dma_wait3A_171 = arith.constant 0 : i32
        %dma_wait3A_172 = tpu.memref_slice %arg7[%add3A_133, %dma_wait3A_171] : memref<80x128xi32, #tpu.memory_space<vmem>> -> memref<1x128xi32, #tpu.memory_space<vmem>>
        %dma_wait3A_173 = tpu.memref_squeeze %dma_wait3A_172 : memref<1x128xi32, #tpu.memory_space<vmem>> -> memref<128xi32, #tpu.memory_space<vmem>>
        %dma_wait3A_174 = arith.constant 0 : i32
        %dma_wait3A_175 = arith.constant 0 : i32
        %dma_wait3A_176 = tpu.memref_slice %arg13[%dma_wait3A_174, %dma_wait3A_175] : memref<10240x32xf32, #tpu.memory_space<vmem_shared>> -> memref<10240x32xf32, #tpu.memory_space<vmem_shared>>
        tpu.wait_indirect_dma semaphore(%run_scoped3A_164 : memref<!tpu.dma_semaphore, #tpu.memory_space<semaphore_mem>>) src(%arg10 : memref<128x32xf32, #tpu.memory_space<vmem>>) dst(%dma_wait3A_176 : memref<10240x32xf32, #tpu.memory_space<vmem_shared>>)
        tpu.yield
      }) : () -> ()
      %add3A_134 = arith.constant 4 : i32
      %add3A_135 = arith.addi %add3A_83, %add3A_134 : i32
      %add3A_136 = arith.constant 2 : i32
      %add3A_137 = arith.addi %add3A_135, %add3A_136 : i32
      %dma_start3A_138 = arith.constant 0 : i32
      %dma_start3A_139 = tpu.memref_slice %arg6[%add3A_137, %dma_start3A_138] : memref<80x128xi32, #tpu.memory_space<vmem>> -> memref<1x128xi32, #tpu.memory_space<vmem>>
      %dma_start3A_140 = tpu.memref_squeeze %dma_start3A_139 : memref<1x128xi32, #tpu.memory_space<vmem>> -> memref<128xi32, #tpu.memory_space<vmem>>
      %dma_start3A_141 = arith.constant 0 : i32
      %dma_start3A_142 = arith.constant 0 : i32
      %dma_start3A_143 = tpu.memref_slice %arg14[%dma_start3A_141, %dma_start3A_142] : memref<10240x32xf32, #tpu.memory_space<vmem_shared>> -> memref<10240x32xf32, #tpu.memory_space<vmem_shared>>
      tpu.enqueue_indirect_dma source(%dma_start3A_143 : memref<10240x32xf32, #tpu.memory_space<vmem_shared>>) target(%arg10 : memref<128x32xf32, #tpu.memory_space<vmem>>) offsets(%dma_start3A_140 : memref<128xi32, #tpu.memory_space<vmem>>) semaphore(%arg17 : memref<!tpu.dma_semaphore, #tpu.memory_space<semaphore_mem>>)
      %add3A_144 = arith.constant 3 : i32
      %add3A_145 = arith.addi %add3A_83, %add3A_144 : i32
      %dma_wait3A_146 = arith.constant 0 : i32
      %dma_wait3A_147 = tpu.memref_slice %arg6[%add3A_145, %dma_wait3A_146] : memref<80x128xi32, #tpu.memory_space<vmem>> -> memref<1x128xi32, #tpu.memory_space<vmem>>
      %dma_wait3A_148 = tpu.memref_squeeze %dma_wait3A_147 : memref<1x128xi32, #tpu.memory_space<vmem>> -> memref<128xi32, #tpu.memory_space<vmem>>
      %dma_wait3A_149 = arith.constant 0 : i32
      %dma_wait3A_150 = arith.constant 0 : i32
      %dma_wait3A_151 = tpu.memref_slice %arg14[%dma_wait3A_149, %dma_wait3A_150] : memref<10240x32xf32, #tpu.memory_space<vmem_shared>> -> memref<10240x32xf32, #tpu.memory_space<vmem_shared>>
      tpu.wait_indirect_dma semaphore(%arg18 : memref<!tpu.dma_semaphore, #tpu.memory_space<semaphore_mem>>) src(%dma_wait3A_151 : memref<10240x32xf32, #tpu.memory_space<vmem_shared>>) dst(%arg11 : memref<128x32xf32, #tpu.memory_space<vmem>>)
      %add3A_152 = arith.constant 3 : i32
      %add3A_153 = arith.addi %add3A_83, %add3A_152 : i32
      "tpu.region"() ({
        %run_scoped3A_164 = tpu.sem_alloc : memref<!tpu.dma_semaphore, #tpu.memory_space<semaphore_mem>>
        %dma_start3A_165 = arith.constant 0 : i32
        %dma_start3A_166 = tpu.memref_slice %arg7[%add3A_153, %dma_start3A_165] : memref<80x128xi32, #tpu.memory_space<vmem>> -> memref<1x128xi32, #tpu.memory_space<vmem>>
        %dma_start3A_167 = tpu.memref_squeeze %dma_start3A_166 : memref<1x128xi32, #tpu.memory_space<vmem>> -> memref<128xi32, #tpu.memory_space<vmem>>
        %dma_start3A_168 = arith.constant 0 : i32
        %dma_start3A_169 = arith.constant 0 : i32
        %dma_start3A_170 = tpu.memref_slice %arg13[%dma_start3A_168, %dma_start3A_169] : memref<10240x32xf32, #tpu.memory_space<vmem_shared>> -> memref<10240x32xf32, #tpu.memory_space<vmem_shared>>
        tpu.enqueue_indirect_dma source(%arg11 : memref<128x32xf32, #tpu.memory_space<vmem>>) target(%dma_start3A_170 : memref<10240x32xf32, #tpu.memory_space<vmem_shared>>) offsets(%dma_start3A_167 : memref<128xi32, #tpu.memory_space<vmem>>) semaphore(%run_scoped3A_164 : memref<!tpu.dma_semaphore, #tpu.memory_space<semaphore_mem>>) {add = true}
        %dma_wait3A_171 = arith.constant 0 : i32
        %dma_wait3A_172 = tpu.memref_slice %arg7[%add3A_153, %dma_wait3A_171] : memref<80x128xi32, #tpu.memory_space<vmem>> -> memref<1x128xi32, #tpu.memory_space<vmem>>
        %dma_wait3A_173 = tpu.memref_squeeze %dma_wait3A_172 : memref<1x128xi32, #tpu.memory_space<vmem>> -> memref<128xi32, #tpu.memory_space<vmem>>
        %dma_wait3A_174 = arith.constant 0 : i32
        %dma_wait3A_175 = arith.constant 0 : i32
        %dma_wait3A_176 = tpu.memref_slice %arg13[%dma_wait3A_174, %dma_wait3A_175] : memref<10240x32xf32, #tpu.memory_space<vmem_shared>> -> memref<10240x32xf32, #tpu.memory_space<vmem_shared>>
        tpu.wait_indirect_dma semaphore(%run_scoped3A_164 : memref<!tpu.dma_semaphore, #tpu.memory_space<semaphore_mem>>) src(%arg11 : memref<128x32xf32, #tpu.memory_space<vmem>>) dst(%dma_wait3A_176 : memref<10240x32xf32, #tpu.memory_space<vmem_shared>>)
        tpu.yield
      }) : () -> ()
      %add3A_154 = arith.constant 4 : i32
      %add3A_155 = arith.addi %add3A_83, %add3A_154 : i32
      %add3A_156 = arith.constant 3 : i32
      %add3A_157 = arith.addi %add3A_155, %add3A_156 : i32
      %dma_start3A_158 = arith.constant 0 : i32
      %dma_start3A_159 = tpu.memref_slice %arg6[%add3A_157, %dma_start3A_158] : memref<80x128xi32, #tpu.memory_space<vmem>> -> memref<1x128xi32, #tpu.memory_space<vmem>>
      %dma_start3A_160 = tpu.memref_squeeze %dma_start3A_159 : memref<1x128xi32, #tpu.memory_space<vmem>> -> memref<128xi32, #tpu.memory_space<vmem>>
      %dma_start3A_161 = arith.constant 0 : i32
      %dma_start3A_162 = arith.constant 0 : i32
      %dma_start3A_163 = tpu.memref_slice %arg14[%dma_start3A_161, %dma_start3A_162] : memref<10240x32xf32, #tpu.memory_space<vmem_shared>> -> memref<10240x32xf32, #tpu.memory_space<vmem_shared>>
      tpu.enqueue_indirect_dma source(%dma_start3A_163 : memref<10240x32xf32, #tpu.memory_space<vmem_shared>>) target(%arg11 : memref<128x32xf32, #tpu.memory_space<vmem>>) offsets(%dma_start3A_160 : memref<128xi32, #tpu.memory_space<vmem>>) semaphore(%arg18 : memref<!tpu.dma_semaphore, #tpu.memory_space<semaphore_mem>>)
    }
    %scan3A_43 = arith.constant 19 : i32
    %dma_wait3A = arith.constant 76 : i32
    %dma_wait3A_44 = arith.constant 0 : i32
    %dma_wait3A_45 = tpu.memref_slice %arg6[%dma_wait3A, %dma_wait3A_44] : memref<80x128xi32, #tpu.memory_space<vmem>> -> memref<1x128xi32, #tpu.memory_space<vmem>>
    %dma_wait3A_46 = tpu.memref_squeeze %dma_wait3A_45 : memref<1x128xi32, #tpu.memory_space<vmem>> -> memref<128xi32, #tpu.memory_space<vmem>>
    %dma_wait3A_47 = arith.constant 0 : i32
    %dma_wait3A_48 = arith.constant 0 : i32
    %dma_wait3A_49 = tpu.memref_slice %arg14[%dma_wait3A_47, %dma_wait3A_48] : memref<10240x32xf32, #tpu.memory_space<vmem_shared>> -> memref<10240x32xf32, #tpu.memory_space<vmem_shared>>
    tpu.wait_indirect_dma semaphore(%arg15 : memref<!tpu.dma_semaphore, #tpu.memory_space<semaphore_mem>>) src(%dma_wait3A_49 : memref<10240x32xf32, #tpu.memory_space<vmem_shared>>) dst(%arg8 : memref<128x32xf32, #tpu.memory_space<vmem>>)
    %run_scoped3A = arith.constant 76 : i32
    "tpu.region"() ({
      %run_scoped3A_79 = tpu.sem_alloc : memref<!tpu.dma_semaphore, #tpu.memory_space<semaphore_mem>>
      %dma_start3A_80 = arith.constant 0 : i32
      %dma_start3A_81 = tpu.memref_slice %arg7[%run_scoped3A, %dma_start3A_80] : memref<80x128xi32, #tpu.memory_space<vmem>> -> memref<1x128xi32, #tpu.memory_space<vmem>>
      %dma_start3A_82 = tpu.memref_squeeze %dma_start3A_81 : memref<1x128xi32, #tpu.memory_space<vmem>> -> memref<128xi32, #tpu.memory_space<vmem>>
      %dma_start3A_83 = arith.constant 0 : i32
      %dma_start3A_84 = arith.constant 0 : i32
      %dma_start3A_85 = tpu.memref_slice %arg13[%dma_start3A_83, %dma_start3A_84] : memref<10240x32xf32, #tpu.memory_space<vmem_shared>> -> memref<10240x32xf32, #tpu.memory_space<vmem_shared>>
      tpu.enqueue_indirect_dma source(%arg8 : memref<128x32xf32, #tpu.memory_space<vmem>>) target(%dma_start3A_85 : memref<10240x32xf32, #tpu.memory_space<vmem_shared>>) offsets(%dma_start3A_82 : memref<128xi32, #tpu.memory_space<vmem>>) semaphore(%run_scoped3A_79 : memref<!tpu.dma_semaphore, #tpu.memory_space<semaphore_mem>>) {add = true}
      %dma_wait3A_86 = arith.constant 0 : i32
      %dma_wait3A_87 = tpu.memref_slice %arg7[%run_scoped3A, %dma_wait3A_86] : memref<80x128xi32, #tpu.memory_space<vmem>> -> memref<1x128xi32, #tpu.memory_space<vmem>>
      %dma_wait3A_88 = tpu.memref_squeeze %dma_wait3A_87 : memref<1x128xi32, #tpu.memory_space<vmem>> -> memref<128xi32, #tpu.memory_space<vmem>>
      %dma_wait3A_89 = arith.constant 0 : i32
      %dma_wait3A_90 = arith.constant 0 : i32
      %dma_wait3A_91 = tpu.memref_slice %arg13[%dma_wait3A_89, %dma_wait3A_90] : memref<10240x32xf32, #tpu.memory_space<vmem_shared>> -> memref<10240x32xf32, #tpu.memory_space<vmem_shared>>
      tpu.wait_indirect_dma semaphore(%run_scoped3A_79 : memref<!tpu.dma_semaphore, #tpu.memory_space<semaphore_mem>>) src(%arg8 : memref<128x32xf32, #tpu.memory_space<vmem>>) dst(%dma_wait3A_91 : memref<10240x32xf32, #tpu.memory_space<vmem_shared>>)
      tpu.yield
    }) : () -> ()
    %dma_wait3A_50 = arith.constant 77 : i32
    %dma_wait3A_51 = arith.constant 0 : i32
    %dma_wait3A_52 = tpu.memref_slice %arg6[%dma_wait3A_50, %dma_wait3A_51] : memref<80x128xi32, #tpu.memory_space<vmem>> -> memref<1x128xi32, #tpu.memory_space<vmem>>
    %dma_wait3A_53 = tpu.memref_squeeze %dma_wait3A_52 : memref<1x128xi32, #tpu.memory_space<vmem>> -> memref<128xi32, #tpu.memory_space<vmem>>
    %dma_wait3A_54 = arith.constant 0 : i32
    %dma_wait3A_55 = arith.constant 0 : i32
    %dma_wait3A_56 = tpu.memref_slice %arg14[%dma_wait3A_54, %dma_wait3A_55] : memref<10240x32xf32, #tpu.memory_space<vmem_shared>> -> memref<10240x32xf32, #tpu.memory_space<vmem_shared>>
    tpu.wait_indirect_dma semaphore(%arg16 : memref<!tpu.dma_semaphore, #tpu.memory_space<semaphore_mem>>) src(%dma_wait3A_56 : memref<10240x32xf32, #tpu.memory_space<vmem_shared>>) dst(%arg9 : memref<128x32xf32, #tpu.memory_space<vmem>>)
    %run_scoped3A_57 = arith.constant 77 : i32
    "tpu.region"() ({
      %run_scoped3A_79 = tpu.sem_alloc : memref<!tpu.dma_semaphore, #tpu.memory_space<semaphore_mem>>
      %dma_start3A_80 = arith.constant 0 : i32
      %dma_start3A_81 = tpu.memref_slice %arg7[%run_scoped3A_57, %dma_start3A_80] : memref<80x128xi32, #tpu.memory_space<vmem>> -> memref<1x128xi32, #tpu.memory_space<vmem>>
      %dma_start3A_82 = tpu.memref_squeeze %dma_start3A_81 : memref<1x128xi32, #tpu.memory_space<vmem>> -> memref<128xi32, #tpu.memory_space<vmem>>
      %dma_start3A_83 = arith.constant 0 : i32
      %dma_start3A_84 = arith.constant 0 : i32
      %dma_start3A_85 = tpu.memref_slice %arg13[%dma_start3A_83, %dma_start3A_84] : memref<10240x32xf32, #tpu.memory_space<vmem_shared>> -> memref<10240x32xf32, #tpu.memory_space<vmem_shared>>
      tpu.enqueue_indirect_dma source(%arg9 : memref<128x32xf32, #tpu.memory_space<vmem>>) target(%dma_start3A_85 : memref<10240x32xf32, #tpu.memory_space<vmem_shared>>) offsets(%dma_start3A_82 : memref<128xi32, #tpu.memory_space<vmem>>) semaphore(%run_scoped3A_79 : memref<!tpu.dma_semaphore, #tpu.memory_space<semaphore_mem>>) {add = true}
      %dma_wait3A_86 = arith.constant 0 : i32
      %dma_wait3A_87 = tpu.memref_slice %arg7[%run_scoped3A_57, %dma_wait3A_86] : memref<80x128xi32, #tpu.memory_space<vmem>> -> memref<1x128xi32, #tpu.memory_space<vmem>>
      %dma_wait3A_88 = tpu.memref_squeeze %dma_wait3A_87 : memref<1x128xi32, #tpu.memory_space<vmem>> -> memref<128xi32, #tpu.memory_space<vmem>>
      %dma_wait3A_89 = arith.constant 0 : i32
      %dma_wait3A_90 = arith.constant 0 : i32
      %dma_wait3A_91 = tpu.memref_slice %arg13[%dma_wait3A_89, %dma_wait3A_90] : memref<10240x32xf32, #tpu.memory_space<vmem_shared>> -> memref<10240x32xf32, #tpu.memory_space<vmem_shared>>
      tpu.wait_indirect_dma semaphore(%run_scoped3A_79 : memref<!tpu.dma_semaphore, #tpu.memory_space<semaphore_mem>>) src(%arg9 : memref<128x32xf32, #tpu.memory_space<vmem>>) dst(%dma_wait3A_91 : memref<10240x32xf32, #tpu.memory_space<vmem_shared>>)
      tpu.yield
    }) : () -> ()
    %dma_wait3A_58 = arith.constant 78 : i32
    %dma_wait3A_59 = arith.constant 0 : i32
    %dma_wait3A_60 = tpu.memref_slice %arg6[%dma_wait3A_58, %dma_wait3A_59] : memref<80x128xi32, #tpu.memory_space<vmem>> -> memref<1x128xi32, #tpu.memory_space<vmem>>
    %dma_wait3A_61 = tpu.memref_squeeze %dma_wait3A_60 : memref<1x128xi32, #tpu.memory_space<vmem>> -> memref<128xi32, #tpu.memory_space<vmem>>
    %dma_wait3A_62 = arith.constant 0 : i32
    %dma_wait3A_63 = arith.constant 0 : i32
    %dma_wait3A_64 = tpu.memref_slice %arg14[%dma_wait3A_62, %dma_wait3A_63] : memref<10240x32xf32, #tpu.memory_space<vmem_shared>> -> memref<10240x32xf32, #tpu.memory_space<vmem_shared>>
    tpu.wait_indirect_dma semaphore(%arg17 : memref<!tpu.dma_semaphore, #tpu.memory_space<semaphore_mem>>) src(%dma_wait3A_64 : memref<10240x32xf32, #tpu.memory_space<vmem_shared>>) dst(%arg10 : memref<128x32xf32, #tpu.memory_space<vmem>>)
    %run_scoped3A_65 = arith.constant 78 : i32
    "tpu.region"() ({
      %run_scoped3A_79 = tpu.sem_alloc : memref<!tpu.dma_semaphore, #tpu.memory_space<semaphore_mem>>
      %dma_start3A_80 = arith.constant 0 : i32
      %dma_start3A_81 = tpu.memref_slice %arg7[%run_scoped3A_65, %dma_start3A_80] : memref<80x128xi32, #tpu.memory_space<vmem>> -> memref<1x128xi32, #tpu.memory_space<vmem>>
      %dma_start3A_82 = tpu.memref_squeeze %dma_start3A_81 : memref<1x128xi32, #tpu.memory_space<vmem>> -> memref<128xi32, #tpu.memory_space<vmem>>
      %dma_start3A_83 = arith.constant 0 : i32
      %dma_start3A_84 = arith.constant 0 : i32
      %dma_start3A_85 = tpu.memref_slice %arg13[%dma_start3A_83, %dma_start3A_84] : memref<10240x32xf32, #tpu.memory_space<vmem_shared>> -> memref<10240x32xf32, #tpu.memory_space<vmem_shared>>
      tpu.enqueue_indirect_dma source(%arg10 : memref<128x32xf32, #tpu.memory_space<vmem>>) target(%dma_start3A_85 : memref<10240x32xf32, #tpu.memory_space<vmem_shared>>) offsets(%dma_start3A_82 : memref<128xi32, #tpu.memory_space<vmem>>) semaphore(%run_scoped3A_79 : memref<!tpu.dma_semaphore, #tpu.memory_space<semaphore_mem>>) {add = true}
      %dma_wait3A_86 = arith.constant 0 : i32
      %dma_wait3A_87 = tpu.memref_slice %arg7[%run_scoped3A_65, %dma_wait3A_86] : memref<80x128xi32, #tpu.memory_space<vmem>> -> memref<1x128xi32, #tpu.memory_space<vmem>>
      %dma_wait3A_88 = tpu.memref_squeeze %dma_wait3A_87 : memref<1x128xi32, #tpu.memory_space<vmem>> -> memref<128xi32, #tpu.memory_space<vmem>>
      %dma_wait3A_89 = arith.constant 0 : i32
      %dma_wait3A_90 = arith.constant 0 : i32
      %dma_wait3A_91 = tpu.memref_slice %arg13[%dma_wait3A_89, %dma_wait3A_90] : memref<10240x32xf32, #tpu.memory_space<vmem_shared>> -> memref<10240x32xf32, #tpu.memory_space<vmem_shared>>
      tpu.wait_indirect_dma semaphore(%run_scoped3A_79 : memref<!tpu.dma_semaphore, #tpu.memory_space<semaphore_mem>>) src(%arg10 : memref<128x32xf32, #tpu.memory_space<vmem>>) dst(%dma_wait3A_91 : memref<10240x32xf32, #tpu.memory_space<vmem_shared>>)
      tpu.yield
    }) : () -> ()
    %dma_wait3A_66 = arith.constant 79 : i32
    %dma_wait3A_67 = arith.constant 0 : i32
    %dma_wait3A_68 = tpu.memref_slice %arg6[%dma_wait3A_66, %dma_wait3A_67] : memref<80x128xi32, #tpu.memory_space<vmem>> -> memref<1x128xi32, #tpu.memory_space<vmem>>
    %dma_wait3A_69 = tpu.memref_squeeze %dma_wait3A_68 : memref<1x128xi32, #tpu.memory_space<vmem>> -> memref<128xi32, #tpu.memory_space<vmem>>
    %dma_wait3A_70 = arith.constant 0 : i32
    %dma_wait3A_71 = arith.constant 0 : i32
    %dma_wait3A_72 = tpu.memref_slice %arg14[%dma_wait3A_70, %dma_wait3A_71] : memref<10240x32xf32, #tpu.memory_space<vmem_shared>> -> memref<10240x32xf32, #tpu.memory_space<vmem_shared>>
    tpu.wait_indirect_dma semaphore(%arg18 : memref<!tpu.dma_semaphore, #tpu.memory_space<semaphore_mem>>) src(%dma_wait3A_72 : memref<10240x32xf32, #tpu.memory_space<vmem_shared>>) dst(%arg11 : memref<128x32xf32, #tpu.memory_space<vmem>>)
    %run_scoped3A_73 = arith.constant 79 : i32
    "tpu.region"() ({
      %run_scoped3A_79 = tpu.sem_alloc : memref<!tpu.dma_semaphore, #tpu.memory_space<semaphore_mem>>
      %dma_start3A_80 = arith.constant 0 : i32
      %dma_start3A_81 = tpu.memref_slice %arg7[%run_scoped3A_73, %dma_start3A_80] : memref<80x128xi32, #tpu.memory_space<vmem>> -> memref<1x128xi32, #tpu.memory_space<vmem>>
      %dma_start3A_82 = tpu.memref_squeeze %dma_start3A_81 : memref<1x128xi32, #tpu.memory_space<vmem>> -> memref<128xi32, #tpu.memory_space<vmem>>
      %dma_start3A_83 = arith.constant 0 : i32
      %dma_start3A_84 = arith.constant 0 : i32
      %dma_start3A_85 = tpu.memref_slice %arg13[%dma_start3A_83, %dma_start3A_84] : memref<10240x32xf32, #tpu.memory_space<vmem_shared>> -> memref<10240x32xf32, #tpu.memory_space<vmem_shared>>
      tpu.enqueue_indirect_dma source(%arg11 : memref<128x32xf32, #tpu.memory_space<vmem>>) target(%dma_start3A_85 : memref<10240x32xf32, #tpu.memory_space<vmem_shared>>) offsets(%dma_start3A_82 : memref<128xi32, #tpu.memory_space<vmem>>) semaphore(%run_scoped3A_79 : memref<!tpu.dma_semaphore, #tpu.memory_space<semaphore_mem>>) {add = true}
      %dma_wait3A_86 = arith.constant 0 : i32
      %dma_wait3A_87 = tpu.memref_slice %arg7[%run_scoped3A_73, %dma_wait3A_86] : memref<80x128xi32, #tpu.memory_space<vmem>> -> memref<1x128xi32, #tpu.memory_space<vmem>>
      %dma_wait3A_88 = tpu.memref_squeeze %dma_wait3A_87 : memref<1x128xi32, #tpu.memory_space<vmem>> -> memref<128xi32, #tpu.memory_space<vmem>>
      %dma_wait3A_89 = arith.constant 0 : i32
      %dma_wait3A_90 = arith.constant 0 : i32
      %dma_wait3A_91 = tpu.memref_slice %arg13[%dma_wait3A_89, %dma_wait3A_90] : memref<10240x32xf32, #tpu.memory_space<vmem_shared>> -> memref<10240x32xf32, #tpu.memory_space<vmem_shared>>
      tpu.wait_indirect_dma semaphore(%run_scoped3A_79 : memref<!tpu.dma_semaphore, #tpu.memory_space<semaphore_mem>>) src(%arg11 : memref<128x32xf32, #tpu.memory_space<vmem>>) dst(%dma_wait3A_91 : memref<10240x32xf32, #tpu.memory_space<vmem_shared>>)
      tpu.yield
    }) : () -> ()
    %barrier3A_74 = arith.constant 0 : index
    tpu.barrier barrier_id(%barrier3A_74)
    %mul3A_75 = arith.constant 640 : i32
    %mul3A_76 = arith.muli %arg1, %mul3A_75 : i32
    %mul3A_77 = arith.constant 640 : i32
    %mul3A_78 = arith.muli %arg1, %mul3A_77 : i32
    "tpu.region"() ({
      %run_scoped3A_79 = tpu.sem_alloc : memref<!tpu.dma_semaphore, #tpu.memory_space<semaphore_mem>>
      %dma_start3A_80 = arith.constant 0 : i32
      %dma_start3A_81 = tpu.memref_slice %arg5[%arg0, %mul3A_78, %dma_start3A_80] : memref<2x10240x32xf32, #tpu.memory_space<hbm>> -> memref<1x640x32xf32, #tpu.memory_space<hbm>>
      %dma_start3A_82 = tpu.memref_squeeze %dma_start3A_81 : memref<1x640x32xf32, #tpu.memory_space<hbm>> -> memref<640x32xf32, #tpu.memory_space<hbm>>
      %dma_start3A_83 = arith.constant 0 : i32
      %dma_start3A_84 = tpu.memref_slice %arg13[%mul3A_76, %dma_start3A_83] : memref<10240x32xf32, #tpu.memory_space<vmem_shared>> -> memref<640x32xf32, #tpu.memory_space<vmem_shared>>
      tpu.enqueue_dma source(%dma_start3A_84 : memref<640x32xf32, #tpu.memory_space<vmem_shared>>) target(%dma_start3A_82 : memref<640x32xf32, #tpu.memory_space<hbm>>) target_semaphore(%run_scoped3A_79 : memref<!tpu.dma_semaphore, #tpu.memory_space<semaphore_mem>>)
      %dma_wait3A_85 = arith.constant 0 : i32
      %dma_wait3A_86 = tpu.memref_slice %arg5[%arg0, %mul3A_78, %dma_wait3A_85] : memref<2x10240x32xf32, #tpu.memory_space<hbm>> -> memref<1x640x32xf32, #tpu.memory_space<hbm>>
      %dma_wait3A_87 = tpu.memref_squeeze %dma_wait3A_86 : memref<1x640x32xf32, #tpu.memory_space<hbm>> -> memref<640x32xf32, #tpu.memory_space<hbm>>
      %dma_wait3A_88 = arith.constant 0 : i32
      %dma_wait3A_89 = tpu.memref_slice %arg13[%mul3A_76, %dma_wait3A_88] : memref<10240x32xf32, #tpu.memory_space<vmem_shared>> -> memref<640x32xf32, #tpu.memory_space<vmem_shared>>
      tpu.wait_dma2 semaphore(%run_scoped3A_79 : memref<!tpu.dma_semaphore, #tpu.memory_space<semaphore_mem>>) src(%dma_wait3A_89 : memref<640x32xf32, #tpu.memory_space<vmem_shared>>) dst(%dma_wait3A_87 : memref<640x32xf32, #tpu.memory_space<hbm>>)
      tpu.yield
    }) : () -> ()
    return
  }
}

module attributes {stable_mosaic.version = 14 : i64} {
  func.func @_scale_body(%arg0: i32, %arg1: memref<1024x128xf32, #tpu.memory_space<vmem>>, %arg2: memref<128x32xf32, #tpu.memory_space<vmem>>, %arg3: memref<32x1024xf32, #tpu.memory_space<vmem>>, %arg4: memref<1024x32xf32, #tpu.memory_space<vmem>>) attributes {dimension_semantics = [#tpu.dimension_semantics<arbitrary>], iteration_bounds = array<i64: 10>, scalar_prefetch = 0 : i64, scratch_operands = 0 : i64, tpu.core_type = #tpu.core_type<tc>, window_params = [{transform_indices = @transform_0, window_bounds = array<i64: 1024, 128>}, {pipeline_mode = #tpu.pipeline_mode<synchronous>, transform_indices = @transform_1, window_bounds = array<i64: 128, 32>}, {transform_indices = @transform_2, window_bounds = array<i64: 32, 1024>}, {transform_indices = @transform_3, window_bounds = array<i64: 1024, 32>}]} {
    %get3A = arith.constant 0 : index
    %get3A_0 = arith.constant 0 : index
    %get3A_1 = vector.load %arg1[%get3A, %get3A_0] : memref<1024x128xf32, #tpu.memory_space<vmem>>, vector<1024x128xf32>
    %get3A_2 = arith.constant 0 : index
    %get3A_3 = arith.constant 0 : index
    %get3A_4 = vector.load %arg2[%get3A_2, %get3A_3] : memref<128x32xf32, #tpu.memory_space<vmem>>, vector<128x32xf32>
    %dot_general3A = arith.constant dense<0.000000e+00> : vector<1024x32xf32>
    %dot_general3A_5 = tpu.matmul %get3A_1, %get3A_4, %dot_general3A {dimension_numbers = #tpu.dot_dimension_numbers<[1], [0], [0], [1], [0, 0, 1, 1], [], []>, transpose_lhs_hint = false} : vector<1024x128xf32>, vector<128x32xf32>, vector<1024x32xf32> -> vector<1024x32xf32>
    %get3A_6 = arith.constant 0 : index
    %get3A_7 = arith.constant 0 : index
    %get3A_8 = vector.load %arg3[%get3A_6, %get3A_7] : memref<32x1024xf32, #tpu.memory_space<vmem>>, vector<32x1024xf32>
    %reduce_sum3A = arith.constant dense<0.000000e+00> : vector<1024xf32>
    %reduce_sum3A_9 = vector.multi_reduction <add>, %get3A_8, %reduce_sum3A [0] : vector<32x1024xf32> to vector<1024xf32>
    %add3A = arith.constant 1.000000e+00 : f32
    %add3A_10 = vector.broadcast %add3A : f32 to vector<1024xf32>
    %add3A_11 = arith.addf %reduce_sum3A_9, %add3A_10 : vector<1024xf32>
    %rsqrt3A = math.rsqrt %add3A_11 : vector<1024xf32>
    %mul3A = arith.constant 5.000000e-01 : f32
    %mul3A_12 = vector.broadcast %mul3A : f32 to vector<1024xf32>
    %mul3A_13 = arith.mulf %mul3A_12, %add3A_11 : vector<1024xf32>
    %mul3A_14 = arith.mulf %mul3A_13, %rsqrt3A : vector<1024xf32>
    %mul3A_15 = arith.mulf %mul3A_14, %rsqrt3A : vector<1024xf32>
    %sub3A = arith.constant 1.500000e+00 : f32
    %sub3A_16 = vector.broadcast %sub3A : f32 to vector<1024xf32>
    %sub3A_17 = arith.subf %sub3A_16, %mul3A_15 : vector<1024xf32>
    %mul3A_18 = arith.mulf %rsqrt3A, %sub3A_17 : vector<1024xf32>
    %broadcast_in_dim3A = vector.shape_cast %mul3A_18 : vector<1024xf32> to vector<1024x1xf32>
    %mul3A_19 = vector.broadcast %broadcast_in_dim3A : vector<1024x1xf32> to vector<1024x32xf32>
    %mul3A_20 = arith.mulf %dot_general3A_5, %mul3A_19 : vector<1024x32xf32>
    %swap3A = arith.constant 0 : index
    %swap3A_21 = arith.constant 0 : index
    %swap3A_22 = vector.load %arg4[%swap3A, %swap3A_21] : memref<1024x32xf32, #tpu.memory_space<vmem>>, vector<1024x32xf32>
    tpu.vector_store %arg4[%swap3A, %swap3A_21], %mul3A_20 {strides = array<i32>} : memref<1024x32xf32, #tpu.memory_space<vmem>>, vector<1024x32xf32>,
    return
  }
  func.func @transform_0(%arg0: i32) -> (i32, i32) {
    %c0_i32 = arith.constant 0 : i32
    %c0_i32_0 = arith.constant 0 : i32
    return %arg0, %c0_i32 : i32, i32
  }
  func.func @transform_1(%arg0: i32) -> (i32, i32) {
    %c0_i32 = arith.constant 0 : i32
    %c0_i32_0 = arith.constant 0 : i32
    %c0_i32_1 = arith.constant 0 : i32
    return %c0_i32, %c0_i32_0 : i32, i32
  }
  func.func @transform_2(%arg0: i32) -> (i32, i32) {
    %c0_i32 = arith.constant 0 : i32
    %c0_i32_0 = arith.constant 0 : i32
    return %c0_i32, %arg0 : i32, i32
  }
  func.func @transform_3(%arg0: i32) -> (i32, i32) {
    %c0_i32 = arith.constant 0 : i32
    %c0_i32_0 = arith.constant 0 : i32
    return %arg0, %c0_i32 : i32, i32
  }
}

module attributes {stable_mosaic.version = 14 : i64} {
  func.func @_epilogue_body(%arg0: memref<2x10240x32xf32, #tpu.memory_space<vmem>>, %arg1: memref<10240x32xf32, #tpu.memory_space<vmem>>, %arg2: memref<32x10240xf32, #tpu.memory_space<vmem>>, %arg3: memref<1x32xf32, #tpu.memory_space<vmem>>, %arg4: memref<1x32xf32, #tpu.memory_space<vmem>>) attributes {dimension_semantics = [], scalar_prefetch = 0 : i64, scratch_operands = 0 : i64, tpu.core_type = #tpu.core_type<tc>} {
    %get3A = arith.constant 0 : index
    %get3A_0 = arith.constant 0 : index
    %get3A_1 = arith.constant 0 : index
    %get3A_2 = vector.load %arg0[%get3A, %get3A_0, %get3A_1] : memref<2x10240x32xf32, #tpu.memory_space<vmem>>, vector<1x10240x32xf32>
    %get3A_3 = vector.shape_cast %get3A_2 : vector<1x10240x32xf32> to vector<10240x32xf32>
    %get3A_4 = arith.constant 1 : index
    %get3A_5 = arith.constant 0 : index
    %get3A_6 = arith.constant 0 : index
    %get3A_7 = vector.load %arg0[%get3A_4, %get3A_5, %get3A_6] : memref<2x10240x32xf32, #tpu.memory_space<vmem>>, vector<1x10240x32xf32>
    %get3A_8 = vector.shape_cast %get3A_7 : vector<1x10240x32xf32> to vector<10240x32xf32>
    %add3A = arith.addf %get3A_3, %get3A_8 : vector<10240x32xf32>
    %get3A_9 = arith.constant 0 : index
    %get3A_10 = arith.constant 0 : index
    %get3A_11 = vector.load %arg1[%get3A_9, %get3A_10] : memref<10240x32xf32, #tpu.memory_space<vmem>>, vector<10240x32xf32>
    %add3A_12 = arith.addf %add3A, %get3A_11 : vector<10240x32xf32>
    %get3A_13 = arith.constant 0 : index
    %get3A_14 = arith.constant 0 : index
    %get3A_15 = vector.load %arg2[%get3A_13, %get3A_14] : memref<32x10240xf32, #tpu.memory_space<vmem>>, vector<32x10240xf32>
    %reduce_sum3A = arith.constant dense<0.000000e+00> : vector<10240xf32>
    %reduce_sum3A_16 = vector.multi_reduction <add>, %get3A_15, %reduce_sum3A [0] : vector<32x10240xf32> to vector<10240xf32>
    %add3A_17 = arith.constant 1.000000e+00 : f32
    %add3A_18 = vector.broadcast %add3A_17 : f32 to vector<10240xf32>
    %add3A_19 = arith.addf %reduce_sum3A_16, %add3A_18 : vector<10240xf32>
    %rsqrt3A = math.rsqrt %add3A_19 : vector<10240xf32>
    %mul3A = arith.constant 5.000000e-01 : f32
    %mul3A_20 = vector.broadcast %mul3A : f32 to vector<10240xf32>
    %mul3A_21 = arith.mulf %mul3A_20, %add3A_19 : vector<10240xf32>
    %mul3A_22 = arith.mulf %mul3A_21, %rsqrt3A : vector<10240xf32>
    %mul3A_23 = arith.mulf %mul3A_22, %rsqrt3A : vector<10240xf32>
    %sub3A = arith.constant 1.500000e+00 : f32
    %sub3A_24 = vector.broadcast %sub3A : f32 to vector<10240xf32>
    %sub3A_25 = arith.subf %sub3A_24, %mul3A_23 : vector<10240xf32>
    %mul3A_26 = arith.mulf %rsqrt3A, %sub3A_25 : vector<10240xf32>
    %broadcast_in_dim3A = vector.shape_cast %mul3A_26 : vector<10240xf32> to vector<10240x1xf32>
    %mul3A_27 = vector.broadcast %broadcast_in_dim3A : vector<10240x1xf32> to vector<10240x32xf32>
    %mul3A_28 = arith.mulf %add3A_12, %mul3A_27 : vector<10240x32xf32>
    %get3A_29 = arith.constant 0 : index
    %get3A_30 = arith.constant 0 : index
    %get3A_31 = vector.load %arg3[%get3A_29, %get3A_30] : memref<1x32xf32, #tpu.memory_space<vmem>>, vector<1x32xf32>
    %add3A_32 = vector.broadcast %get3A_31 : vector<1x32xf32> to vector<10240x32xf32>
    %add3A_33 = arith.addf %mul3A_28, %add3A_32 : vector<10240x32xf32>
    %max3A = arith.constant 0.000000e+00 : f32
    %max3A_34 = vector.broadcast %max3A : f32 to vector<10240x32xf32>
    %max3A_35 = arith.maximumf %add3A_33, %max3A_34 : vector<10240x32xf32>
    %iota3A = tpu.iota {dimensions = array<i32: 0>} : vector<10240x32xi32>
    %lt3A = arith.constant 10000 : i32
    %lt3A_36 = vector.broadcast %lt3A : i32 to vector<10240x32xi32>
    %lt3A_37 = arith.cmpi slt, %iota3A, %lt3A_36 : vector<10240x32xi32>
    %jit3A = arith.constant 0.000000e+00 : f32
    %broadcast_in_dim3A_38 = vector.broadcast %jit3A : f32 to vector<10240x32xf32>
    %select_n3A = arith.select %lt3A_37, %max3A_35, %broadcast_in_dim3A_38 : vector<10240x32xi1>, vector<10240x32xf32>
    %slice3A = vector.extract_strided_slice %select_n3A {offsets = [0, 0], sizes = [5120, 32], strides = [1, 1]} : vector<10240x32xf32> to vector<5120x32xf32>
    %slice3A_39 = vector.extract_strided_slice %select_n3A {offsets = [5120, 0], sizes = [5120, 32], strides = [1, 1]} : vector<10240x32xf32> to vector<5120x32xf32>
    %add3A_40 = arith.addf %slice3A, %slice3A_39 : vector<5120x32xf32>
    %slice3A_41 = vector.extract_strided_slice %add3A_40 {offsets = [0, 0], sizes = [2560, 32], strides = [1, 1]} : vector<5120x32xf32> to vector<2560x32xf32>
    %slice3A_42 = vector.extract_strided_slice %add3A_40 {offsets = [2560, 0], sizes = [2560, 32], strides = [1, 1]} : vector<5120x32xf32> to vector<2560x32xf32>
    %add3A_43 = arith.addf %slice3A_41, %slice3A_42 : vector<2560x32xf32>
    %slice3A_44 = vector.extract_strided_slice %add3A_43 {offsets = [0, 0], sizes = [1280, 32], strides = [1, 1]} : vector<2560x32xf32> to vector<1280x32xf32>
    %slice3A_45 = vector.extract_strided_slice %add3A_43 {offsets = [1280, 0], sizes = [1280, 32], strides = [1, 1]} : vector<2560x32xf32> to vector<1280x32xf32>
    %add3A_46 = arith.addf %slice3A_44, %slice3A_45 : vector<1280x32xf32>
    %slice3A_47 = vector.extract_strided_slice %add3A_46 {offsets = [0, 0], sizes = [640, 32], strides = [1, 1]} : vector<1280x32xf32> to vector<640x32xf32>
    %slice3A_48 = vector.extract_strided_slice %add3A_46 {offsets = [640, 0], sizes = [640, 32], strides = [1, 1]} : vector<1280x32xf32> to vector<640x32xf32>
    %add3A_49 = arith.addf %slice3A_47, %slice3A_48 : vector<640x32xf32>
    %slice3A_50 = vector.extract_strided_slice %add3A_49 {offsets = [0, 0], sizes = [320, 32], strides = [1, 1]} : vector<640x32xf32> to vector<320x32xf32>
    %slice3A_51 = vector.extract_strided_slice %add3A_49 {offsets = [320, 0], sizes = [320, 32], strides = [1, 1]} : vector<640x32xf32> to vector<320x32xf32>
    %add3A_52 = arith.addf %slice3A_50, %slice3A_51 : vector<320x32xf32>
    %slice3A_53 = vector.extract_strided_slice %add3A_52 {offsets = [0, 0], sizes = [160, 32], strides = [1, 1]} : vector<320x32xf32> to vector<160x32xf32>
    %slice3A_54 = vector.extract_strided_slice %add3A_52 {offsets = [160, 0], sizes = [160, 32], strides = [1, 1]} : vector<320x32xf32> to vector<160x32xf32>
    %add3A_55 = arith.addf %slice3A_53, %slice3A_54 : vector<160x32xf32>
    %slice3A_56 = vector.extract_strided_slice %add3A_55 {offsets = [0, 0], sizes = [80, 32], strides = [1, 1]} : vector<160x32xf32> to vector<80x32xf32>
    %slice3A_57 = vector.extract_strided_slice %add3A_55 {offsets = [80, 0], sizes = [80, 32], strides = [1, 1]} : vector<160x32xf32> to vector<80x32xf32>
    %add3A_58 = arith.addf %slice3A_56, %slice3A_57 : vector<80x32xf32>
    %slice3A_59 = vector.extract_strided_slice %add3A_58 {offsets = [0, 0], sizes = [40, 32], strides = [1, 1]} : vector<80x32xf32> to vector<40x32xf32>
    %slice3A_60 = vector.extract_strided_slice %add3A_58 {offsets = [40, 0], sizes = [40, 32], strides = [1, 1]} : vector<80x32xf32> to vector<40x32xf32>
    %add3A_61 = arith.addf %slice3A_59, %slice3A_60 : vector<40x32xf32>
    %reduce_sum3A_62 = arith.constant dense<0.000000e+00> : vector<32xf32>
    %reduce_sum3A_63 = vector.multi_reduction <add>, %add3A_61, %reduce_sum3A_62 [0] : vector<40x32xf32> to vector<32xf32>
    %broadcast_in_dim3A_64 = vector.shape_cast %reduce_sum3A_63 : vector<32xf32> to vector<1x32xf32>
    %mul3A_65 = arith.constant 9.99999974E-5 : f32
    %mul3A_66 = vector.broadcast %mul3A_65 : f32 to vector<1x32xf32>
    %mul3A_67 = arith.mulf %broadcast_in_dim3A_64, %mul3A_66 : vector<1x32xf32>
    %swap3A = arith.constant 0 : index
    %swap3A_68 = arith.constant 0 : index
    %swap3A_69 = vector.load %arg4[%swap3A, %swap3A_68] : memref<1x32xf32, #tpu.memory_space<vmem>>, vector<1x32xf32>
    tpu.vector_store %arg4[%swap3A, %swap3A_68], %mul3A_67 {strides = array<i32>} : memref<1x32xf32, #tpu.memory_space<vmem>>, vector<1x32xf32>,
    return
  }
}

</mosaic_0001>

<sc_bundles>
// kernel: kernel.6.cloned.1.call-start
scs
__scs_entry_jumppad:
0x0: {  	(pc) =	sbr.rel $0x88, $3  }
0x1: {  	(tag) =	ssettag $0x0;
	lr =	simm.s32 $0x1  }
0x2: {  	[smem:$0x3F9B] =	sst lr;
	_ =	strace $0xD0000000  }
0x3: {  	_ = 	snop  }
0x4: {  	_ = 	snop  }
0x5: {  	_ = 	snop  }
0x6: {  	_ = 	snop  }
0x7: {  	_ = 	snop  }
__scs_overlays_trampoline_lowered:
0x8: {  	[smem:$0x3FAA] =	sst s0  }
0x9: {  	[smem:$0x3FAB] =	sst s1  }
0xa: {  	[smem:$0x3FAC] =	sst s2  }
0xb: {  	[smem:$0x3FAD] =	sst s3  }
0xc: {  	[smem:$0x3FAE] =	sst s4  }
0xd: {  	[smem:$0x3FAF] =	sst s5  }
0xe: {  	[smem:$0x3FB0] =	sst s6  }
0xf: {  	[smem:$0x3FB1] =	sst s7  }
0x10: {  	[smem:$0x3FB2] =	sst s8  }
0x11: {  	[smem:$0x3FB3] =	sst s9;
	s0 =	simm.s32 @!p0 $0x0  }
0x12: {  	s1 =	sld [smem:$0x3F99];
	s0 =	simm.s32 @p0 $0x1  }
0x13: {  	[smem:$0x3FB4] =	sst s0;
	s0 =	simm.s32 @!p1 $0x0  }
0x14: {  	s2 =	sld [smem:$0x3F98];
	s0 =	simm.s32 @p1 $0x1  }
0x15: {  	[smem:$0x3FB5] =	sst s0;
	s0 =	simm.s32 @!p2 $0x0  }
0x16: {  	s3 =	sld [smem:$0x3FDB];
	s0 =	simm.s32 @p2 $0x1  }
0x17: {  	s4 =	simm.s32 $0x1BF5;
	[smem:$0x3FB7] =	sst s0  }
0x18: {  	s0 =	sld [smem:$0x3F9A];
	_ =	swait.ge [sflag:s4], $0x0  }
0x19: {  	s7 =	sld [smem:$0x3F9B]  }
0x1a: {  	s8 =	sadd.s32 $0xFFFFE003, lr  }
0x1b: {  	s9 =	sadd.s32 $0xFFFFFEF7, lr;
	s5 =	simm.s32 $0xFFFFFFFF;
	p2 =	slt.u32 s8, $0xFFFFF086  }
0x1c: {  	p1 =	slt.u32 s9, $0xF7A;
	s5 =	simm.s32 @!p2 $0x0  }
0x1d: {  	s5 =	simm.s32 @p1 $0x1;
	p0 =	seq.s32 s7, s2  }
0x1e: {  	s7 =	smul.u32 @!p0 $0xF7A, s2;
	p2 =	seq.s32 @!p0 s5, $0x0  }
0x1f: {  	s9 =	smul.u32 $0xF7A, s1;
	s8 =	simm.s32 @!p0 $0x1BF5;
	p2 =	por !p2, p0  }
0x20: {  	[sflag:s8] =	ssyncset.s32 @!p0 $0xFFFFF086;
	s6 =	sadd.s32 @!p0 s3, s7;
	s7 =	simm.s32 @!p0 $0x108  }
0x21: {  	s3 =	sadd.s32 s3, s9;
	s6 =	sadd.s32 @!p0 $0x88, s6;
	s7 =	simm.s32 @p2 $0x1082  }
0x22: {  	[simem:s7], [sflag:s8] =	dma.local @!p0 [hbm:s6], $0xF7A  }
0x23: {  	s9 =	sor.u32 $0xD0000000, s2;
	s6 =	simm.s32 $0x108;
	_ =	swait.ge @!p0 [sflag:s8], $0x0  }
0x24: {  	s3 =	sadd.s32 $0x88, s3;
	s6 =	simm.s32 @!p1 $0x1082;
	[sflag:s4] =	ssyncset.s32 $0xFFFFF086  }
0x25: {  	[simem:s6], [sflag:s4] =	dma.local [hbm:s3], $0xF7A  }
0x26: {  	[smem:$0x3F9B] =	sst s1;
	(tag) =	ssettag s2;
	_ =	strace s9  }
0x27: {  	s1 =	sld [smem:$0x3FAB]  }
0x28: {  	s2 =	sld [smem:$0x3FAC]  }
0x29: {  	s4 =	sld [smem:$0x3FAE]  }
0x2a: {  	p0 =	seq.s32 s5, $0x0;
	s5 =	sld [smem:$0x3FAF]  }
0x2b: {  	s6 =	sld [smem:$0x3FB0]  }
0x2c: {  	s7 =	sld [smem:$0x3FB1]  }
0x2d: {  	s3 =	simm.s32 $0x108;
	s8 =	sld [smem:$0x3FB2]  }
0x2e: {  	s3 =	simm.s32 @!p0 $0x1082;
	s9 =	sld [smem:$0x3FB3]  }
0x2f: {  	lr =	sadd.s32 s0, s3;
	s0 =	sld [smem:$0x3FAA]  }
0x30: {  	s3 =	sld [smem:$0x3FAD]  }
0x31: {  	[smem:$0x3FB6] =	sst s10  }
0x32: {  	s10 =	sld [smem:$0x3FB4];
	_ =	sdelay $0x3  }
0x33: {  	p0 =	seq.s32 s10, $0x1;
	s10 =	sld [smem:$0x3FB6];
	_ =	sdelay $0x3  }
0x34: {  	[smem:$0x3FB6] =	sst s10  }
0x35: {  	s10 =	sld [smem:$0x3FB5];
	_ =	sdelay $0x3  }
0x36: {  	p1 =	seq.s32 s10, $0x1;
	s10 =	sld [smem:$0x3FB6];
	_ =	sdelay $0x3  }
0x37: {  	[smem:$0x3FB6] =	sst s10  }
0x38: {  	s10 =	sld [smem:$0x3FB7]  }
0x39: {  	_ = 	snop;
	(pc) =	sbr.ind lr, $3  }
0x3a: {  	_ = 	snop  }
0x3b: {  	_ = 	snop  }
0x3c: {  	p2 =	seq.s32 s10, $0x1;
	s10 =	sld [smem:$0x3FB6]  }
0x3d: {  	_ =	shalt  }
0x3e: {  	_ =	shalt  }
0x3f: {  	_ =	shalt  }
0x40: {  	_ =	shalt  }
0x41: {  	_ =	shalt  }
0x42: {  	_ =	shalt  }
0x43: {  	_ =	shalt  }
0x44: {  	_ =	shalt  }
0x45: {  	_ =	shalt  }
0x46: {  	_ =	shalt  }
0x47: {  	_ =	shalt  }
0x48: {  	_ =	shalt  }
0x49: {  	_ =	shalt  }
0x4a: {  	_ =	shalt  }
0x4b: {  	_ =	shalt  }
0x4c: {  	_ =	shalt  }
0x4d: {  	_ =	shalt  }
0x4e: {  	_ =	shalt  }
0x4f: {  	_ =	shalt  }
0x50: {  	_ =	shalt  }
0x51: {  	_ =	shalt  }
0x52: {  	_ =	shalt  }
0x53: {  	_ =	shalt  }
0x54: {  	_ =	shalt  }
0x55: {  	_ =	shalt  }
0x56: {  	_ =	shalt  }
0x57: {  	_ =	shalt  }
0x58: {  	_ =	shalt  }
0x59: {  	_ =	shalt  }
0x5a: {  	_ =	shalt  }
0x5b: {  	_ =	shalt  }
0x5c: {  	_ =	shalt  }
0x5d: {  	_ =	shalt  }
0x5e: {  	_ =	shalt  }
0x5f: {  	_ =	shalt  }
0x60: {  	_ =	shalt  }
0x61: {  	_ =	shalt  }
0x62: {  	_ =	shalt  }
0x63: {  	_ =	shalt  }
0x64: {  	_ =	shalt  }
0x65: {  	_ =	shalt  }
0x66: {  	_ =	shalt  }
0x67: {  	_ =	shalt  }
0x68: {  	_ =	shalt  }
0x69: {  	_ =	shalt  }
0x6a: {  	_ =	shalt  }
0x6b: {  	_ =	shalt  }
0x6c: {  	_ =	shalt  }
0x6d: {  	_ =	shalt  }
0x6e: {  	_ =	shalt  }
0x6f: {  	_ =	shalt  }
0x70: {  	_ =	shalt  }
0x71: {  	_ =	shalt  }
0x72: {  	_ =	shalt  }
0x73: {  	_ =	shalt  }
0x74: {  	_ =	shalt  }
0x75: {  	_ =	shalt  }
0x76: {  	_ =	shalt  }
0x77: {  	_ =	shalt  }
0x78: {  	_ =	shalt  }
0x79: {  	_ =	shalt  }
0x7a: {  	_ =	shalt  }
0x7b: {  	_ =	shalt  }
0x7c: {  	_ =	shalt  }
0x7d: {  	_ =	shalt  }
0x7e: {  	_ =	shalt  }
0x7f: {  	_ =	shalt  }
0x80: {  	_ =	shalt  }
0x81: {  	_ =	shalt  }
0x82: {  	_ =	shalt  }
0x83: {  	_ =	shalt  }
0x84: {  	_ =	shalt  }
0x85: {  	_ =	shalt  }
0x86: {  	_ =	shalt  }
0x87: {  	_ =	shalt  }
.Lfunc_end0:
.L_simem_size_0:
called_computation_lowered:
.L_overlay_start_0:
0x88: {  	s2 =	sld [smem:$0x3FD9]  }
0x89: {  	s3 =	sld [smem:$0x3FFE];
	_ =	sdelay $0x1  }
0x8a: {  	s1 =	srdreg.scid  }
0x8b: {  	s0 =	sand.u32 $0x1, s1  }
0x8c: {  	s16 =	sshll.u32 s0, $0xA;
	s2 =	sadd.s32 s3, s2  }
0x8d: {  	s2 =	sadd.s32 s2, s16  }
0x8e: {  	[smem:$0x3FC2] =	sst s2  }
0x8f: {  	_ = 	snop  }
0x90: {  	(tm) =	ssettm $0x1  }
0x91: {  	s17 =	sld [smem:$0x3FFB];
	_ =	sdelay $0x3  }
0x92: {  	_ =	strace s17  }
0x93: {  	s2 =	sld [smem:$0x3FFC];
	_ =	sdelay $0x3  }
0x94: {  	_ =	strace s2  }
0x95: {  	s2 =	sld [smem:$0x3FFD];
	_ =	sdelay $0x3  }
0x96: {  	_ =	strace s2  }
0x97: {  	_ =	strace $0x8FFFFFFF  }
0x98: {  	s18 =	sld [smem:$0x3FDB];
	_ =	sdelay $0x1  }
0x99: {  	s19 =	simm.s32 $_scs_section_size  }
0x9a: {  	s4 =	simm.s32 $_size__tile_overlayer_lowered;
	s5 =	simm.s32 $_tile_overlayer_lowered  }
0x9b: {  	s22 =	simm.s32 $0x1BFF;
	s21 =	sshll.u32 s5, $0x1;
	s2 =	sadd.s32 s19, s18  }
0x9c: {  	s6 =	simm.s32 $0x0;
	s20 =	sshll.u32 s4, $0x1;
	s4 =	sadd.s32 s21, s2  }
0x9d: {  	[timem:s6], [sflag:s22] =	dma.local [hbm:s4], s20  }
0x9e: {  	_ =	swait.ge [sflag:s22], s20  }
0x9f: {  	s3 =	ssub.s32 $0x0, s20;
	[sflag:s22] =	ssyncset.done $0x0  }
0xa0: {  	[sflag:s22] =	ssyncadd.s32 s3;
	_ =	sdelay $0x1  }
0xa1: {  	s23 =	simm.s32 $0x1B8B  }
0xa2: {  	_ =	swait.ge [sflag:s23], $0x1  }
0xa3: {  	[sflag:s23] =	ssyncset.done $0x0  }
0xa4: {  	s25 =	simm.s32 $0x1B8E;
	s24 =	sld [smem:$0x3FFE];
	[sflag:s23] =	ssyncadd.s32 $0xFFFFFFFF  }
0xa5: {  	s26 =	simm.s32 $execute0_lowered;
	[smem:$0x3FD2] =	sst s25  }
0xa6: {  	s4 =	sshll.u32 s26, $0x1;
	_ =	strace $0x80000046;
	[dreg:$0x1] =	wrdreg $0xFFFFFFFF  }
0xa7: {  	s28 =	simm.s32 $_size_execute0_lowered;
	s2 =	sadd.s32 s2, s4;
	[dreg:$0x0] =	wrdreg $0x0  }
0xa8: {  	s4 =	sshll.u32 s28, $0x1;
	[dreg:$0x2] =	wrdreg s2  }
0xa9: {  	[dreg:$0x3] =	wrdreg s4  }
0xaa: {  	[dreg:$0x4] =	wrdreg $0xC0  }
0xab: {  	_ =	task [dreg:s6], $0x5FFFF  }
0xac: {  	[dreg:$0x1] =	wrdreg $0xFFFFFFFF  }
0xad: {  	[dreg:$0x0] =	wrdreg $0x60  }
0xae: {  	[dreg:$0x2] =	wrdreg s24  }
0xaf: {  	[dreg:$0x3] =	wrdreg $0x9  }
0xb0: {  	_ =	task.clear_ibuf [dreg:s6], $0x4FFFF;
	_ =	strace $0x90000046  }
0xb1: {  	s29 =	simm.s32 $0x9;
	_ =	strace $0x80000048  }
0xb2: {  	_ =	swait.ge [sflag:s29], $0x1  }
0xb3: {  	[sflag:s29] =	ssyncadd.s32 $0xFFFFFFFF  }
0xb4: {  	_ =	strace $0x90000048  }
0xb5: {  	_ =	sfence  }
0xb6: {  	s30 =	sld [smem:$0x0];
	_ =	sdelay $0x2  }
0xb7: {  	s31 =	sshll.u32 s1, $0xD;
	s1 =	sshrl.u32 s1, $0x2  }
0xb8: {  	s3 =	sand.u32 $0x4000, s31;
	s1 =	sadd.s32 s1, s30  }
0xb9: {  	s0 =	sor.u32 s3, s0;
	s1 =	sshll.u32 s1, $0x11  }
0xba: {  	s0 =	sor.u32 s1, s0  }
0xbb: {  	s0 =	sadd.s32 $0x8F2B, s0  }
0xbc: {  	[sflag:s0] =	ssyncadd.remote.s32 $0x1  }
0xbd: {  	_ =	sfence.sel $0xFFFF  }
0xbe: {  	[dreg:$0x0] =	wrdreg $0xFFFFFFFF;
	(pc) =	sbr.abs _section_cstart, $3  }
0xbf: {  	[dreg:$0x1] =	wrdreg $0xFFFFFFFF  }
0xc0: {  	_ =	task.clear_ibuf [dreg:s6], $0x2FFFF;
	_ =	strace $0x9FFFFFFF  }
0xc1: {  	(tm) =	ssettm $0x7FFFFFFF  }
tec
execute0_lowered:
.L_overlay_start_1:
0x0: {  	(tag) =	ssettag $0x1  }
0x1: {  	s1 =	srdreg.scid  }
0x2: {  	s0 =	stileid.u32;
	s5 =	rddreg [dreg:$0x0]  }
0x3: {  	s2 =	simm.s32 $0x0;
	s8 =	simm.s32 $0x80;
	s9 =	simm.s32 $0x400  }
0x4: {  	s10 =	simm.s32 $0x0;
	s3 =	sand.u32 $0x1, s1;
	s29 =	sshll.u32 s0, $0x1  }
0x5: {  	s30 =	sshrl.u32 s0, $0x2;
	s1 =	rddreg [dreg:$0x1];
	s4 =	sor.u32 s3, s29  }
0x6: {  	[smem:$0x7FF] =	sst s2;
	s6 =	smul.u32 $0x14000, s30;
	s7 =	sshll.u32 s4, $0x7  }
0x7: {  	s3 =	ssub.s32 $0x2, s3;
	s4 =	smul.u32 $0x4E2, s4;
	s7 =	sand.u32 $0x380, s7  }
0x8: {  	_ =	strace $0x80000047;
	s31 =	sshrl.u32 s3, $0x1;
	s6 =	sor.u32 s6, s7  }
0x9: {  	s4 =	sadd.s32 s4, s5;
	s7 =	simm.s32 $0x2780;
	s6 =	sshrl.u32 s6, $0x3  }
0xa: {  	s5 =	sadd.s32 s6, s5;
	s6 =	ssub.s32 s3, s31;
	s3 =	sadd.s32 $0xC00, s4  }
0xb: {  	v0 =	vimm.f32 $0.0e+00;
	v1 =	vimm.f32 $1.000000000e+00;
	s4 =	sadd.s32 $0xAA00, s5;
	s5 =	smax.u32 s6, $0x1;
	s6 =	simm.s32 $0x1  }
.LBB2_1:
0xc: {  	[tilespmem:s2], [sflag:$0x1] =	stream.linear.gather [hbm4b:s3+s2], $0x2710, $0x38;
	[tilespmem:$0x4F80] =	vst v63  }
0xd: {  	_ =	swait.ge [sflag:s6], $0x2710  }
0xe: {  	[sflag:s6] =	ssyncset.done $0x0  }
0xf: {  	s11 =	simm.s32 $0x0;
	[sflag:s6] =	ssyncadd.s32 $0xFFFFD8F0  }
.LBB2_2:
0x10: {  	p0 =	sne.s32 s11, $0x9FC0  }
.Ltmp0:
0x11: {  	_ = 	snop;
	(pc) =	sbr.rel @p0 .LBB2_2-.Ltmp0, $3  }
0x12: {  	_ =	sdelay $0x1  }
0x13: {  	s12 =	sshra.s32 s11, $0x2  }
0x14: {  	s11 =	sadd.s32 $0x40, s11;
	[tilespmem:s12+$0x2780] =	vst v0  }
0x15: {  	s12 =	simm.s32 $0x0;
	s11 =	simm.s32 $0x40  }
.LBB2_4:
0x16: {  	p0 =	sne.s32 s11, $0x9C00;
	v2 =	vld [tilespmem:s12+$0x0];
	_ =	sdelay $0x3  }
.Ltmp1:
0x17: {  	(pc) =	sbr.rel @p0 .LBB2_4-.Ltmp1, $2  }
0x18: {  	_ =	sdelay $0x2  }
0x19: {  	s12 =	sshra.s32 s11, $0x2;
	s11 =	sadd.s32 $0x40, s11;
	[tilespmem:v2+s7+$0x0] =	vst.idx.add.f32.msk $0xffff, v1  }
0x1a: {  	v2 =	vld [tilespmem:s12+$0x0];
	_ =	sdelay $0x5  }
0x1b: {  	s10 =	sadd.s32 $0x1, s10  }
0x1c: {  	p0 =	sne.s32 s10, s5  }
.Ltmp2:
0x1d: {  	[tilespmem:v2+s7+$0x0] =	vst.idx.add.f32.msk $0xffff, v1;
	(pc) =	sbr.rel @p0 .LBB2_1-.Ltmp2, $4  }
0x1e: {  	[hbm4b:s4+s8] =	stream.strided.scatter [tilespmem:s7], [sflag:$0x1], $0x2800, s9, s8, $0x38;
	[tilespmem:$0x4F80] =	vst v63  }
0x1f: {  	_ =	swait.ge [sflag:s6], $0x2800  }
0x20: {  	[sflag:s6] =	ssyncset.done $0x0  }
0x21: {  	[sflag:s6] =	ssyncadd.s32 $0xFFFFD800  }
0x22: {  	_ =	sfence.sel $0x180000  }
0x23: {  	[bflag:$0x0] =	sbarrier.arrive $0xFFFF  }
0x24: {  	p0 =	sne.s32 s0, $0x0;
	_ =	strace $0x90000047  }
0x25: {  	s0 =	sadd.s32 @!p0 $0x100000, s1;
	[bflag:$0x2] =	sbarrier.arrive $0xFFFF  }
0x26: {  	[sflag:s0] =	ssyncadd.tile.s32 @!p0 $0x1;
	_ =	shalt  }
.Lfunc_end2:
_tile_overlayer_lowered:
.L_overlay_start_2:
0x27: {  	(tag) =	ssettag $0x2  }
0x28: {  	s0 =	rddreg [dreg:$0x0];
	s2 =	stileid.u32  }
0x29: {  	s1 =	rddreg [dreg:$0x1];
	p0 =	sne.s32 s2, $0x0  }
0x2a: {  	s3 =	rddreg [dreg:$0x2];
	[bflag:$0x3] =	sbarrier.arrive $0xFFFF;
	s2 =	simm.s32 @!p0 $0x1C01  }
0x2b: {  	[timem:s3], [sflag:s2] =	dma.local @!p0 [hbm:s0], s1  }
0x2c: {  	s0 =	simm.s32 @!p0 $0x1  }
0x2d: {  	_ =	swait.ge @!p0 [sflag:s0], s1  }
0x2e: {  	s1 =	ssub.s32 @!p0 $0x0, s1;
	[sflag:s0] =	ssyncset.done @!p0 $0x0  }
0x2f: {  	[sflag:s0] =	ssyncadd.s32 @!p0 s1  }
0x30: {  	[bflag:$0x3] =	sbarrier.arrive $0xFFFF  }
0x31: {  	_ =	shalt  }

// kernel: kernel.9.cloned.1.call-start
scs
__scs_entry_jumppad:
0x0: {  	(pc) =	sbr.rel $0x88, $3  }
0x1: {  	(tag) =	ssettag $0x0;
	lr =	simm.s32 $0x1  }
0x2: {  	[smem:$0x3F9B] =	sst lr;
	_ =	strace $0xD0000000  }
0x3: {  	_ = 	snop  }
0x4: {  	_ = 	snop  }
0x5: {  	_ = 	snop  }
0x6: {  	_ = 	snop  }
0x7: {  	_ = 	snop  }
__scs_overlays_trampoline_lowered:
0x8: {  	[smem:$0x3FAA] =	sst s0  }
0x9: {  	[smem:$0x3FAB] =	sst s1  }
0xa: {  	[smem:$0x3FAC] =	sst s2  }
0xb: {  	[smem:$0x3FAD] =	sst s3  }
0xc: {  	[smem:$0x3FAE] =	sst s4  }
0xd: {  	[smem:$0x3FAF] =	sst s5  }
0xe: {  	[smem:$0x3FB0] =	sst s6  }
0xf: {  	[smem:$0x3FB1] =	sst s7  }
0x10: {  	[smem:$0x3FB2] =	sst s8  }
0x11: {  	[smem:$0x3FB3] =	sst s9;
	s0 =	simm.s32 @!p0 $0x0  }
0x12: {  	s1 =	sld [smem:$0x3F99];
	s0 =	simm.s32 @p0 $0x1  }
0x13: {  	[smem:$0x3FB4] =	sst s0;
	s0 =	simm.s32 @!p1 $0x0  }
0x14: {  	s2 =	sld [smem:$0x3F98];
	s0 =	simm.s32 @p1 $0x1  }
0x15: {  	[smem:$0x3FB5] =	sst s0;
	s0 =	simm.s32 @!p2 $0x0  }
0x16: {  	s3 =	sld [smem:$0x3FDB];
	s0 =	simm.s32 @p2 $0x1  }
0x17: {  	s4 =	simm.s32 $0x1BF5;
	[smem:$0x3FB7] =	sst s0  }
0x18: {  	s0 =	sld [smem:$0x3F9A];
	_ =	swait.ge [sflag:s4], $0x0  }
0x19: {  	s7 =	sld [smem:$0x3F9B]  }
0x1a: {  	s8 =	sadd.s32 $0xFFFFE003, lr  }
0x1b: {  	s9 =	sadd.s32 $0xFFFFFEF7, lr;
	s5 =	simm.s32 $0xFFFFFFFF;
	p2 =	slt.u32 s8, $0xFFFFF086  }
0x1c: {  	p1 =	slt.u32 s9, $0xF7A;
	s5 =	simm.s32 @!p2 $0x0  }
0x1d: {  	s5 =	simm.s32 @p1 $0x1;
	p0 =	seq.s32 s7, s2  }
0x1e: {  	s7 =	smul.u32 @!p0 $0xF7A, s2;
	p2 =	seq.s32 @!p0 s5, $0x0  }
0x1f: {  	s9 =	smul.u32 $0xF7A, s1;
	s8 =	simm.s32 @!p0 $0x1BF5;
	p2 =	por !p2, p0  }
0x20: {  	[sflag:s8] =	ssyncset.s32 @!p0 $0xFFFFF086;
	s6 =	sadd.s32 @!p0 s3, s7;
	s7 =	simm.s32 @!p0 $0x108  }
0x21: {  	s3 =	sadd.s32 s3, s9;
	s6 =	sadd.s32 @!p0 $0x88, s6;
	s7 =	simm.s32 @p2 $0x1082  }
0x22: {  	[simem:s7], [sflag:s8] =	dma.local @!p0 [hbm:s6], $0xF7A  }
0x23: {  	s9 =	sor.u32 $0xD0000000, s2;
	s6 =	simm.s32 $0x108;
	_ =	swait.ge @!p0 [sflag:s8], $0x0  }
0x24: {  	s3 =	sadd.s32 $0x88, s3;
	s6 =	simm.s32 @!p1 $0x1082;
	[sflag:s4] =	ssyncset.s32 $0xFFFFF086  }
0x25: {  	[simem:s6], [sflag:s4] =	dma.local [hbm:s3], $0xF7A  }
0x26: {  	[smem:$0x3F9B] =	sst s1;
	(tag) =	ssettag s2;
	_ =	strace s9  }
0x27: {  	s1 =	sld [smem:$0x3FAB]  }
0x28: {  	s2 =	sld [smem:$0x3FAC]  }
0x29: {  	s4 =	sld [smem:$0x3FAE]  }
0x2a: {  	p0 =	seq.s32 s5, $0x0;
	s5 =	sld [smem:$0x3FAF]  }
0x2b: {  	s6 =	sld [smem:$0x3FB0]  }
0x2c: {  	s7 =	sld [smem:$0x3FB1]  }
0x2d: {  	s3 =	simm.s32 $0x108;
	s8 =	sld [smem:$0x3FB2]  }
0x2e: {  	s3 =	simm.s32 @!p0 $0x1082;
	s9 =	sld [smem:$0x3FB3]  }
0x2f: {  	lr =	sadd.s32 s0, s3;
	s0 =	sld [smem:$0x3FAA]  }
0x30: {  	s3 =	sld [smem:$0x3FAD]  }
0x31: {  	[smem:$0x3FB6] =	sst s10  }
0x32: {  	s10 =	sld [smem:$0x3FB4];
	_ =	sdelay $0x3  }
0x33: {  	p0 =	seq.s32 s10, $0x1;
	s10 =	sld [smem:$0x3FB6];
	_ =	sdelay $0x3  }
0x34: {  	[smem:$0x3FB6] =	sst s10  }
0x35: {  	s10 =	sld [smem:$0x3FB5];
	_ =	sdelay $0x3  }
0x36: {  	p1 =	seq.s32 s10, $0x1;
	s10 =	sld [smem:$0x3FB6];
	_ =	sdelay $0x3  }
0x37: {  	[smem:$0x3FB6] =	sst s10  }
0x38: {  	s10 =	sld [smem:$0x3FB7]  }
0x39: {  	_ = 	snop;
	(pc) =	sbr.ind lr, $3  }
0x3a: {  	_ = 	snop  }
0x3b: {  	_ = 	snop  }
0x3c: {  	p2 =	seq.s32 s10, $0x1;
	s10 =	sld [smem:$0x3FB6]  }
0x3d: {  	_ =	shalt  }
0x3e: {  	_ =	shalt  }
0x3f: {  	_ =	shalt  }
0x40: {  	_ =	shalt  }
0x41: {  	_ =	shalt  }
0x42: {  	_ =	shalt  }
0x43: {  	_ =	shalt  }
0x44: {  	_ =	shalt  }
0x45: {  	_ =	shalt  }
0x46: {  	_ =	shalt  }
0x47: {  	_ =	shalt  }
0x48: {  	_ =	shalt  }
0x49: {  	_ =	shalt  }
0x4a: {  	_ =	shalt  }
0x4b: {  	_ =	shalt  }
0x4c: {  	_ =	shalt  }
0x4d: {  	_ =	shalt  }
0x4e: {  	_ =	shalt  }
0x4f: {  	_ =	shalt  }
0x50: {  	_ =	shalt  }
0x51: {  	_ =	shalt  }
0x52: {  	_ =	shalt  }
0x53: {  	_ =	shalt  }
0x54: {  	_ =	shalt  }
0x55: {  	_ =	shalt  }
0x56: {  	_ =	shalt  }
0x57: {  	_ =	shalt  }
0x58: {  	_ =	shalt  }
0x59: {  	_ =	shalt  }
0x5a: {  	_ =	shalt  }
0x5b: {  	_ =	shalt  }
0x5c: {  	_ =	shalt  }
0x5d: {  	_ =	shalt  }
0x5e: {  	_ =	shalt  }
0x5f: {  	_ =	shalt  }
0x60: {  	_ =	shalt  }
0x61: {  	_ =	shalt  }
0x62: {  	_ =	shalt  }
0x63: {  	_ =	shalt  }
0x64: {  	_ =	shalt  }
0x65: {  	_ =	shalt  }
0x66: {  	_ =	shalt  }
0x67: {  	_ =	shalt  }
0x68: {  	_ =	shalt  }
0x69: {  	_ =	shalt  }
0x6a: {  	_ =	shalt  }
0x6b: {  	_ =	shalt  }
0x6c: {  	_ =	shalt  }
0x6d: {  	_ =	shalt  }
0x6e: {  	_ =	shalt  }
0x6f: {  	_ =	shalt  }
0x70: {  	_ =	shalt  }
0x71: {  	_ =	shalt  }
0x72: {  	_ =	shalt  }
0x73: {  	_ =	shalt  }
0x74: {  	_ =	shalt  }
0x75: {  	_ =	shalt  }
0x76: {  	_ =	shalt  }
0x77: {  	_ =	shalt  }
0x78: {  	_ =	shalt  }
0x79: {  	_ =	shalt  }
0x7a: {  	_ =	shalt  }
0x7b: {  	_ =	shalt  }
0x7c: {  	_ =	shalt  }
0x7d: {  	_ =	shalt  }
0x7e: {  	_ =	shalt  }
0x7f: {  	_ =	shalt  }
0x80: {  	_ =	shalt  }
0x81: {  	_ =	shalt  }
0x82: {  	_ =	shalt  }
0x83: {  	_ =	shalt  }
0x84: {  	_ =	shalt  }
0x85: {  	_ =	shalt  }
0x86: {  	_ =	shalt  }
0x87: {  	_ =	shalt  }
.Lfunc_end0:
.L_simem_size_0:
called_computation.1_lowered:
.L_overlay_start_0:
0x88: {  	s2 =	sld [smem:$0x3FD9]  }
0x89: {  	s3 =	sld [smem:$0x3FFE];
	_ =	sdelay $0x1  }
0x8a: {  	s1 =	srdreg.scid  }
0x8b: {  	s0 =	sand.u32 $0x1, s1  }
0x8c: {  	s16 =	sshll.u32 s0, $0xA;
	s2 =	sadd.s32 s3, s2  }
0x8d: {  	s2 =	sadd.s32 s2, s16  }
0x8e: {  	[smem:$0x3FC2] =	sst s2  }
0x8f: {  	_ = 	snop  }
0x90: {  	(tm) =	ssettm $0x1  }
0x91: {  	s17 =	sld [smem:$0x3FFB];
	_ =	sdelay $0x3  }
0x92: {  	_ =	strace s17  }
0x93: {  	s2 =	sld [smem:$0x3FFC];
	_ =	sdelay $0x3  }
0x94: {  	_ =	strace s2  }
0x95: {  	s2 =	sld [smem:$0x3FFD];
	_ =	sdelay $0x3  }
0x96: {  	_ =	strace s2  }
0x97: {  	_ =	strace $0x8FFFFFFF  }
0x98: {  	s18 =	sld [smem:$0x3FDB];
	_ =	sdelay $0x1  }
0x99: {  	s19 =	simm.s32 $_scs_section_size  }
0x9a: {  	s4 =	simm.s32 $_size__tile_overlayer_lowered;
	s5 =	simm.s32 $_tile_overlayer_lowered  }
0x9b: {  	s22 =	simm.s32 $0x1BFF;
	s21 =	sshll.u32 s5, $0x1;
	s2 =	sadd.s32 s19, s18  }
0x9c: {  	s6 =	simm.s32 $0x0;
	s20 =	sshll.u32 s4, $0x1;
	s4 =	sadd.s32 s21, s2  }
0x9d: {  	[timem:s6], [sflag:s22] =	dma.local [hbm:s4], s20  }
0x9e: {  	_ =	swait.ge [sflag:s22], s20  }
0x9f: {  	s3 =	ssub.s32 $0x0, s20;
	[sflag:s22] =	ssyncset.done $0x0  }
0xa0: {  	[sflag:s22] =	ssyncadd.s32 s3;
	_ =	sdelay $0x1  }
0xa1: {  	s23 =	simm.s32 $0x1B8B  }
0xa2: {  	_ =	swait.ge [sflag:s23], $0x1  }
0xa3: {  	[sflag:s23] =	ssyncset.done $0x0  }
0xa4: {  	s25 =	simm.s32 $0x1B8E;
	s24 =	sld [smem:$0x3FFE];
	[sflag:s23] =	ssyncadd.s32 $0xFFFFFFFF  }
0xa5: {  	s26 =	simm.s32 $execute0_lowered;
	[smem:$0x3FD2] =	sst s25  }
0xa6: {  	s4 =	sshll.u32 s26, $0x1;
	_ =	strace $0x80000049;
	[dreg:$0x1] =	wrdreg $0xFFFFFFFF  }
0xa7: {  	s28 =	simm.s32 $_size_execute0_lowered;
	s2 =	sadd.s32 s2, s4;
	[dreg:$0x0] =	wrdreg $0x0  }
0xa8: {  	s4 =	sshll.u32 s28, $0x1;
	[dreg:$0x2] =	wrdreg s2  }
0xa9: {  	[dreg:$0x3] =	wrdreg s4  }
0xaa: {  	[dreg:$0x4] =	wrdreg $0xC0  }
0xab: {  	_ =	task [dreg:s6], $0x5FFFF  }
0xac: {  	[dreg:$0x1] =	wrdreg $0xFFFFFFFF  }
0xad: {  	[dreg:$0x0] =	wrdreg $0x60  }
0xae: {  	[dreg:$0x2] =	wrdreg s24  }
0xaf: {  	[dreg:$0x3] =	wrdreg $0x130000  }
0xb0: {  	[dreg:$0x4] =	wrdreg $0xE0000  }
0xb1: {  	[dreg:$0x5] =	wrdreg $0x9  }
0xb2: {  	_ =	task.clear_ibuf [dreg:s6], $0x6FFFF;
	_ =	strace $0x90000049  }
0xb3: {  	s29 =	simm.s32 $0x9;
	_ =	strace $0x8000004B  }
0xb4: {  	_ =	swait.ge [sflag:s29], $0x1  }
0xb5: {  	[sflag:s29] =	ssyncadd.s32 $0xFFFFFFFF  }
0xb6: {  	_ =	strace $0x9000004B  }
0xb7: {  	_ =	sfence  }
0xb8: {  	s30 =	sld [smem:$0x0];
	_ =	sdelay $0x2  }
0xb9: {  	s31 =	sshll.u32 s1, $0xD;
	s1 =	sshrl.u32 s1, $0x2  }
0xba: {  	s3 =	sand.u32 $0x4000, s31;
	s1 =	sadd.s32 s1, s30  }
0xbb: {  	s0 =	sor.u32 s3, s0;
	s1 =	sshll.u32 s1, $0x11  }
0xbc: {  	s0 =	sor.u32 s1, s0  }
0xbd: {  	s0 =	sadd.s32 $0x8F2B, s0  }
0xbe: {  	[sflag:s0] =	ssyncadd.remote.s32 $0x1  }
0xbf: {  	_ =	sfence.sel $0xFFFF  }
0xc0: {  	[dreg:$0x0] =	wrdreg $0xFFFFFFFF;
	(pc) =	sbr.abs _section_cstart, $3  }
0xc1: {  	[dreg:$0x1] =	wrdreg $0xFFFFFFFF  }
0xc2: {  	_ =	task.clear_ibuf [dreg:s6], $0x2FFFF;
	_ =	strace $0x9FFFFFFF  }
0xc3: {  	(tm) =	ssettm $0x7FFFFFFF  }
tec
execute0_lowered:
.L_overlay_start_1:
0x0: {  	(tag) =	ssettag $0x1  }
0x1: {  	s0 =	rddreg [dreg:$0x0]  }
0x2: {  	s2 =	rddreg [dreg:$0x1]  }
0x3: {  	s3 =	rddreg [dreg:$0x2]  }
0x4: {  	s11 =	stileid.u32;
	s1 =	srdreg.scid  }
0x5: {  	s4 =	simm.s32 $0x0;
	s16 =	simm.s32 $0x80;
	s17 =	simm.s32 $0x5000  }
0x6: {  	s18 =	simm.s32 $0x6000;
	s19 =	simm.s32 $0x100;
	s20 =	simm.s32 $0x7000  }
0x7: {  	s21 =	simm.s32 $0x180;
	s22 =	simm.s32 $0x8000;
	s23 =	simm.s32 $0x1  }
0x8: {  	s24 =	simm.s32 $0x2;
	s28 =	simm.s32 $0x4E00;
	s29 =	simm.s32 $0x4E80  }
0x9: {  	s30 =	simm.s32 $0x4F00;
	s31 =	simm.s32 $0x4F80;
	s8 =	smul.u32 $0x5000, s11  }
0xa: {  	s1 =	sand.u32 $0x1, s1;
	[smem:$0x7FF] =	sst s4;
	s5 =	sshll.u32 s11, $0x1  }
0xb: {  	s26 =	sshll.u32 s11, $0x6;
	s11 =	simm.s32 $0x5;
	s6 =	smul.u32 $0x50000, s1  }
0xc: {  	_ =	strace $0x8000004A;
	s5 =	sor.u32 s1, s5;
	s1 =	ssub.s32 $0x2, s1  }
0xd: {  	s13 =	sor.u32 $0x1C05, s26;
	s26 =	simm.s32 $0x4;
	s7 =	sshrl.u32 s8, $0x3  }
0xe: {  	s5 =	smul.u32 $0x500, s5;
	s25 =	sshrl.u32 s1, $0x1;
	s12 =	sadd.s32 s8, s2  }
0xf: {  	s6 =	sadd.s32 s8, s6;
	s7 =	sadd.s32 s7, s0;
	s1 =	ssub.s32 s1, s25  }
0x10: {  	s8 =	sadd.s32 s8, s3;
	s14 =	sshrl.u32 s12, $0x3;
	s25 =	simm.s32 $0x3  }
0x11: {  	s6 =	sshrl.u32 s6, $0x3;
	s9 =	sadd.s32 s5, s0;
	s7 =	sadd.s32 $0xC00, s7  }
0x12: {  	s10 =	smax.u32 s1, $0x1;
	s0 =	sadd.s32 s6, s0;
	s5 =	sadd.s32 $0x1EA00, s9  }
0x13: {  	v0 =	vimm.f32 $0.0e+00;
	s6 =	sadd.s32 $0x14A00, s9;
	s9 =	sadd.s32 $0x28A00, s0;
	s0 =	simm.s32 $0x0  }
.LBB2_1:
0x14: {  	[tilespmem:s4], [sflag:$0x5] =	stream.linear.gather [hbm4b:s5+s4], $0x2800, $0x38;
	[tilespmem:$0x18000] =	vst v63  }
0x15: {  	_ =	swait.ge [sflag:s11], $0x2800  }
0x16: {  	[sflag:s11] =	ssyncset.done $0x0  }
0x17: {  	s1 =	simm.s32 $0x2800;
	[sflag:s11] =	ssyncadd.s32 $0xFFFFD800  }
0x18: {  	[tilespmem:s1], [sflag:$0x5] =	stream.linear.gather [hbm4b:s6+s4], $0x2800, $0x38;
	[tilespmem:$0x18000] =	vst v63  }
0x19: {  	_ =	swait.ge [sflag:s11], $0x2800  }
0x1a: {  	[sflag:s11] =	ssyncset.done $0x0  }
0x1b: {  	[sflag:s11] =	ssyncadd.s32 $0xFFFFD800  }
0x1c: {  	[spmem:s14], [sflag:s13] =	dma.local [hbm:s7], $0xA00  }
0x1d: {  	_ =	swait.ge [sflag:s11], $0xA00  }
0x1e: {  	[sflag:s11] =	ssyncset.done $0x0  }
0x1f: {  	s12 =	simm.s32 $0x0;
	s1 =	simm.s32 $0x80;
	[sflag:s11] =	ssyncadd.s32 $0xFFFFF600  }
.LBB2_2:
0x20: {  	p0 =	sne.s32 s1, $0x13F80;
	[tilespmem:s12+$0x9000] =	vst v0;
	s15 =	smov.u32 s1;
	s1 =	sadd.s32 $0x80, s1  }
.Ltmp0:
0x21: {  	[tilespmem:s12+$0x9010] =	vst v0;
	(pc) =	sbr.rel @p0 .LBB2_2-.Ltmp0, $2  }
0x22: {  	_ =	sdelay $0x2  }
0x23: {  	s12 =	sshra.s32 s15, $0x2  }
0x24: {  	[tilespmem:s12+$0x9000] =	vst v0  }
0x25: {  	[tilespmem:s12+$0x9010] =	vst v0;
	s1 =	simm.s32 $0x9000  }
0x26: {  	[spmem:s8] =	stream.linear.scatter [tilespmem:s1], [sflag:$0x5], $0x5000, $0x38;
	[tilespmem:$0x18000] =	vst v63  }
0x27: {  	_ =	swait.ge [sflag:s11], $0x5000  }
0x28: {  	[sflag:s11] =	ssyncset.done $0x0  }
0x29: {  	[sflag:s11] =	ssyncadd.s32 $0xFFFFB000  }
0x2a: {  	s12 =	simm.s32 $0x0;
	[bflag:$0x0] =	sbarrier.arrive $0xFFFF  }
0x2b: {  	[tilespmem:s17], [sflag:$0x1] =	stream.indirect.gather [spmem:s2], $0x20, s12, s16, $0xb8;
	[tilespmem:$0x18000] =	vst v63  }
0x2c: {  	_ = 	snop  }
0x2d: {  	[tilespmem:s18], [sflag:$0x2] =	stream.indirect.gather [spmem:s2], $0x20, s16, s16, $0xb8;
	[tilespmem:$0x18000] =	vst v63  }
0x2e: {  	_ = 	snop  }
0x2f: {  	[tilespmem:s20], [sflag:$0x3] =	stream.indirect.gather [spmem:s2], $0x20, s19, s16, $0xb8;
	[tilespmem:$0x18000] =	vst v63  }
0x30: {  	_ = 	snop  }
0x31: {  	[tilespmem:s22], [sflag:$0x4] =	stream.indirect.gather [spmem:s2], $0x20, s21, s16, $0xb8;
	[tilespmem:$0x18000] =	vst v63  }
0x32: {  	_ =	swait.ge [sflag:s23], $0x1000  }
0x33: {  	[sflag:s23] =	ssyncset.done $0x0  }
0x34: {  	s15 =	simm.s32 $0x2800;
	[sflag:s23] =	ssyncadd.s32 $0xFFFFF000  }
0x35: {  	[spmem:s3] =	stream.indirect.scatter.add.f32 [tilespmem:s17], [sflag:$0x5], $0x20, s15, s16, $0xb8;
	[tilespmem:$0x18000] =	vst v63  }
0x36: {  	_ =	swait.ge [sflag:s11], $0x1000  }
0x37: {  	[sflag:s11] =	ssyncset.done $0x0  }
0x38: {  	s12 =	simm.s32 $0x200;
	[sflag:s11] =	ssyncadd.s32 $0xFFFFF000  }
0x39: {  	[tilespmem:s17], [sflag:$0x1] =	stream.indirect.gather [spmem:s2], $0x20, s12, s16, $0xb8;
	[tilespmem:$0x18000] =	vst v63  }
0x3a: {  	_ =	swait.ge [sflag:s24], $0x1000  }
0x3b: {  	[sflag:s24] =	ssyncset.done $0x0  }
0x3c: {  	s15 =	simm.s32 $0x2880;
	[sflag:s24] =	ssyncadd.s32 $0xFFFFF000  }
0x3d: {  	[spmem:s3] =	stream.indirect.scatter.add.f32 [tilespmem:s18], [sflag:$0x5], $0x20, s15, s16, $0xb8;
	[tilespmem:$0x18000] =	vst v63  }
0x3e: {  	_ =	swait.ge [sflag:s11], $0x1000  }
0x3f: {  	[sflag:s11] =	ssyncset.done $0x0  }
0x40: {  	s12 =	simm.s32 $0x280;
	[sflag:s11] =	ssyncadd.s32 $0xFFFFF000  }
0x41: {  	[tilespmem:s18], [sflag:$0x2] =	stream.indirect.gather [spmem:s2], $0x20, s12, s16, $0xb8;
	[tilespmem:$0x18000] =	vst v63  }
0x42: {  	_ =	swait.ge [sflag:s25], $0x1000  }
0x43: {  	[sflag:s25] =	ssyncset.done $0x0  }
0x44: {  	s15 =	simm.s32 $0x2900;
	[sflag:s25] =	ssyncadd.s32 $0xFFFFF000  }
0x45: {  	[spmem:s3] =	stream.indirect.scatter.add.f32 [tilespmem:s20], [sflag:$0x5], $0x20, s15, s16, $0xb8;
	[tilespmem:$0x18000] =	vst v63  }
0x46: {  	_ =	swait.ge [sflag:s11], $0x1000  }
0x47: {  	[sflag:s11] =	ssyncset.done $0x0  }
0x48: {  	s12 =	simm.s32 $0x300;
	[sflag:s11] =	ssyncadd.s32 $0xFFFFF000  }
0x49: {  	[tilespmem:s20], [sflag:$0x3] =	stream.indirect.gather [spmem:s2], $0x20, s12, s16, $0xb8;
	[tilespmem:$0x18000] =	vst v63  }
0x4a: {  	_ =	swait.ge [sflag:s26], $0x1000  }
0x4b: {  	[sflag:s26] =	ssyncset.done $0x0  }
0x4c: {  	s15 =	simm.s32 $0x2980;
	[sflag:s26] =	ssyncadd.s32 $0xFFFFF000  }
0x4d: {  	[spmem:s3] =	stream.indirect.scatter.add.f32 [tilespmem:s22], [sflag:$0x5], $0x20, s15, s16, $0xb8;
	[tilespmem:$0x18000] =	vst v63  }
0x4e: {  	_ =	swait.ge [sflag:s11], $0x1000  }
0x4f: {  	[sflag:s11] =	ssyncset.done $0x0  }
0x50: {  	s1 =	simm.s32 $0x800;
	s12 =	simm.s32 $0x380;
	[sflag:s11] =	ssyncadd.s32 $0xFFFFF000  }
.LBB2_4:
0x51: {  	[tilespmem:s22], [sflag:$0x4] =	stream.indirect.gather [spmem:s2], $0x20, s12, s16, $0xb8;
	[tilespmem:$0x18000] =	vst v63  }
0x52: {  	s12 =	smov.u32 s1  }
0x53: {  	p0 =	sne.s32 s1, $0x9000;
	s1 =	sadd.s32 $0x800, s1;
	_ =	swait.ge [sflag:s23], $0x1000  }
0x54: {  	s12 =	sshra.s32 s12, $0x2;
	[sflag:s23] =	ssyncset.done $0x0  }
0x55: {  	s15 =	sadd.s32 $0x2800, s12;
	[sflag:s23] =	ssyncadd.s32 $0xFFFFF000  }
0x56: {  	[spmem:s3] =	stream.indirect.scatter.add.f32 [tilespmem:s17], [sflag:$0x5], $0x20, s15, s16, $0xb8;
	[tilespmem:$0x18000] =	vst v63  }
0x57: {  	_ =	swait.ge [sflag:s11], $0x1000  }
0x58: {  	[sflag:s11] =	ssyncset.done $0x0  }
0x59: {  	s15 =	sadd.s32 $0x200, s12;
	[sflag:s11] =	ssyncadd.s32 $0xFFFFF000  }
0x5a: {  	[tilespmem:s17], [sflag:$0x1] =	stream.indirect.gather [spmem:s2], $0x20, s15, s16, $0xb8;
	[tilespmem:$0x18000] =	vst v63  }
0x5b: {  	_ =	swait.ge [sflag:s24], $0x1000  }
0x5c: {  	[sflag:s24] =	ssyncset.done $0x0  }
0x5d: {  	s15 =	sadd.s32 $0x2880, s12;
	[sflag:s24] =	ssyncadd.s32 $0xFFFFF000  }
0x5e: {  	[spmem:s3] =	stream.indirect.scatter.add.f32 [tilespmem:s18], [sflag:$0x5], $0x20, s15, s16, $0xb8;
	[tilespmem:$0x18000] =	vst v63  }
0x5f: {  	_ =	swait.ge [sflag:s11], $0x1000  }
0x60: {  	[sflag:s11] =	ssyncset.done $0x0  }
0x61: {  	s15 =	sadd.s32 $0x280, s12;
	[sflag:s11] =	ssyncadd.s32 $0xFFFFF000  }
0x62: {  	[tilespmem:s18], [sflag:$0x2] =	stream.indirect.gather [spmem:s2], $0x20, s15, s16, $0xb8;
	[tilespmem:$0x18000] =	vst v63  }
0x63: {  	_ =	swait.ge [sflag:s25], $0x1000  }
0x64: {  	[sflag:s25] =	ssyncset.done $0x0  }
0x65: {  	s15 =	sadd.s32 $0x2900, s12;
	[sflag:s25] =	ssyncadd.s32 $0xFFFFF000  }
0x66: {  	[spmem:s3] =	stream.indirect.scatter.add.f32 [tilespmem:s20], [sflag:$0x5], $0x20, s15, s16, $0xb8;
	[tilespmem:$0x18000] =	vst v63  }
0x67: {  	_ =	swait.ge [sflag:s11], $0x1000  }
0x68: {  	[sflag:s11] =	ssyncset.done $0x0  }
0x69: {  	s15 =	sadd.s32 $0x300, s12;
	[sflag:s11] =	ssyncadd.s32 $0xFFFFF000  }
0x6a: {  	[tilespmem:s20], [sflag:$0x3] =	stream.indirect.gather [spmem:s2], $0x20, s15, s16, $0xb8;
	[tilespmem:$0x18000] =	vst v63  }
0x6b: {  	_ =	swait.ge [sflag:s26], $0x1000  }
0x6c: {  	[sflag:s26] =	ssyncset.done $0x0  }
.Ltmp1:
0x6d: {  	s15 =	sadd.s32 $0x2980, s12;
	[sflag:s26] =	ssyncadd.s32 $0xFFFFF000;
	(pc) =	sbr.rel @p0 .LBB2_4-.Ltmp1, $4  }
0x6e: {  	[spmem:s3] =	stream.indirect.scatter.add.f32 [tilespmem:s22], [sflag:$0x5], $0x20, s15, s16, $0xb8;
	[tilespmem:$0x18000] =	vst v63  }
0x6f: {  	_ =	swait.ge [sflag:s11], $0x1000  }
0x70: {  	[sflag:s11] =	ssyncset.done $0x0  }
0x71: {  	s12 =	sadd.s32 $0x380, s12;
	[sflag:s11] =	ssyncadd.s32 $0xFFFFF000  }
0x72: {  	[tilespmem:s22], [sflag:$0x4] =	stream.indirect.gather [spmem:s2], $0x20, s12, s16, $0xb8;
	[tilespmem:$0x18000] =	vst v63  }
0x73: {  	_ =	swait.ge [sflag:s23], $0x1000  }
0x74: {  	[sflag:s23] =	ssyncset.done $0x0  }
0x75: {  	[sflag:s23] =	ssyncadd.s32 $0xFFFFF000  }
0x76: {  	[spmem:s3] =	stream.indirect.scatter.add.f32 [tilespmem:s17], [sflag:$0x5], $0x20, s28, s16, $0xb8;
	[tilespmem:$0x18000] =	vst v63  }
0x77: {  	_ =	swait.ge [sflag:s11], $0x1000  }
0x78: {  	[sflag:s11] =	ssyncset.done $0x0  }
0x79: {  	[sflag:s11] =	ssyncadd.s32 $0xFFFFF000  }
0x7a: {  	_ =	swait.ge [sflag:s24], $0x1000  }
0x7b: {  	[sflag:s24] =	ssyncset.done $0x0  }
0x7c: {  	[sflag:s24] =	ssyncadd.s32 $0xFFFFF000  }
0x7d: {  	[spmem:s3] =	stream.indirect.scatter.add.f32 [tilespmem:s18], [sflag:$0x5], $0x20, s29, s16, $0xb8;
	[tilespmem:$0x18000] =	vst v63  }
0x7e: {  	_ =	swait.ge [sflag:s11], $0x1000  }
0x7f: {  	[sflag:s11] =	ssyncset.done $0x0  }
0x80: {  	[sflag:s11] =	ssyncadd.s32 $0xFFFFF000  }
0x81: {  	_ =	swait.ge [sflag:s25], $0x1000  }
0x82: {  	[sflag:s25] =	ssyncset.done $0x0  }
0x83: {  	[sflag:s25] =	ssyncadd.s32 $0xFFFFF000  }
0x84: {  	[spmem:s3] =	stream.indirect.scatter.add.f32 [tilespmem:s20], [sflag:$0x5], $0x20, s30, s16, $0xb8;
	[tilespmem:$0x18000] =	vst v63  }
0x85: {  	_ =	swait.ge [sflag:s11], $0x1000  }
0x86: {  	[sflag:s11] =	ssyncset.done $0x0  }
0x87: {  	[sflag:s11] =	ssyncadd.s32 $0xFFFFF000  }
0x88: {  	_ =	swait.ge [sflag:s26], $0x1000  }
0x89: {  	[sflag:s26] =	ssyncset.done $0x0  }
0x8a: {  	[sflag:s26] =	ssyncadd.s32 $0xFFFFF000  }
0x8b: {  	[spmem:s3] =	stream.indirect.scatter.add.f32 [tilespmem:s22], [sflag:$0x5], $0x20, s31, s16, $0xb8;
	[tilespmem:$0x18000] =	vst v63  }
0x8c: {  	_ =	swait.ge [sflag:s11], $0x1000  }
0x8d: {  	s0 =	sadd.s32 $0x1, s0;
	[sflag:s11] =	ssyncset.done $0x0  }
0x8e: {  	p0 =	sne.s32 s0, s10;
	[sflag:s11] =	ssyncadd.s32 $0xFFFFF000  }
.Ltmp2:
0x8f: {  	s1 =	sshrl.u32 s8, $0x3;
	[bflag:$0x0] =	sbarrier.arrive $0xFFFF;
	(pc) =	sbr.rel @p0 .LBB2_1-.Ltmp2, $4  }
0x90: {  	[hbm:s9], [sflag:s13] =	dma.local [spmem:s1], $0xA00  }
0x91: {  	_ =	swait.ge [sflag:s11], $0xA00  }
0x92: {  	[sflag:s11] =	ssyncset.done $0x0  }
0x93: {  	[sflag:s11] =	ssyncadd.s32 $0xFFFFF600  }
0x94: {  	_ =	sfence.sel $0x180000  }
0x95: {  	[bflag:$0x0] =	sbarrier.arrive $0xFFFF  }
0x96: {  	_ =	strace $0x9000004A  }
0x97: {  	s0 =	stileid.u32;
	[bflag:$0x2] =	sbarrier.arrive $0xFFFF  }
0x98: {  	p0 =	sne.s32 s0, $0x0;
	s0 =	rddreg [dreg:$0x3]  }
0x99: {  	s0 =	sadd.s32 @!p0 $0x100000, s0  }
0x9a: {  	[sflag:s0] =	ssyncadd.tile.s32 @!p0 $0x1;
	_ =	shalt  }
.Lfunc_end2:
_tile_overlayer_lowered:
.L_overlay_start_2:
0x9b: {  	(tag) =	ssettag $0x2  }
0x9c: {  	s0 =	rddreg [dreg:$0x0];
	s2 =	stileid.u32  }
0x9d: {  	s1 =	rddreg [dreg:$0x1];
	p0 =	sne.s32 s2, $0x0  }
0x9e: {  	s3 =	rddreg [dreg:$0x2];
	[bflag:$0x3] =	sbarrier.arrive $0xFFFF;
	s2 =	simm.s32 @!p0 $0x1C05  }
0x9f: {  	[timem:s3], [sflag:s2] =	dma.local @!p0 [hbm:s0], s1  }
0xa0: {  	s0 =	simm.s32 @!p0 $0x5  }
0xa1: {  	_ =	swait.ge @!p0 [sflag:s0], s1  }
0xa2: {  	s1 =	ssub.s32 @!p0 $0x0, s1;
	[sflag:s0] =	ssyncset.done @!p0 $0x0  }
0xa3: {  	[sflag:s0] =	ssyncadd.s32 @!p0 s1  }
0xa4: {  	[bflag:$0x3] =	sbarrier.arrive $0xFFFF  }
0xa5: {  	_ =	shalt  }

</sc_bundles>
